<compile_context>
chip_gen: v7x
topology: tpu7x:2x2x1
jax: 0.10.2.dev20260603
libtpu: 0.0.44.dev20260713+nightly
codegen_flags: <defaults>
</compile_context>

<pallas_src>
import functools

import jax
import jax.numpy as jnp
from jax import lax
from jax.experimental import pallas as pl
from jax.experimental.pallas import tpu as pltpu
from jax.experimental.pallas import tpu_sc as plsc

N_NODES = 10000
N_HID = 128
N_EDGES = 320000
NW = 32
PER_W = N_EDGES // NW
CHUNK = 80
NCHUNK = PER_W // CHUNK
LANES = 16
NPK = N_HID // (2 * LANES)


def _prep_body(emb_ref, ds_ref, a_ref, b_ref):
    x = emb_ref[...]
    n2 = jnp.sum(x * x, axis=1, keepdims=True)
    inv = 1.0 / jnp.maximum(jnp.sqrt(n2), 1e-12)
    xn = x * inv
    b_ref[...] = xn.astype(jnp.bfloat16)
    a_ref[...] = (xn * ds_ref[...]).astype(jnp.bfloat16)


_ROWS_PER_BLK = 1000


def _prep(emb, ds):
    return pl.pallas_call(
        _prep_body,
        grid=(N_NODES // _ROWS_PER_BLK,),
        in_specs=[
            pl.BlockSpec((_ROWS_PER_BLK, N_HID), lambda i: (i, 0)),
            pl.BlockSpec((1, N_HID), lambda i: (0, 0)),
        ],
        out_specs=[
            pl.BlockSpec((_ROWS_PER_BLK, N_HID), lambda i: (i, 0)),
            pl.BlockSpec((_ROWS_PER_BLK, N_HID), lambda i: (i, 0)),
        ],
        out_shape=[
            jax.ShapeDtypeStruct((N_NODES, N_HID), jnp.bfloat16),
            jax.ShapeDtypeStruct((N_NODES, N_HID), jnp.bfloat16),
        ],
    )(emb, ds)


def _sc_body(a_hbm, b_hbm, src_hbm, dst_hbm, out_hbm,
             src_v, dst_v, arows_v, brows_v, tile_v, out_v, sem_a0, sem_b0,
             sem_a1, sem_b1):
    cid = lax.axis_index("c")
    sid = lax.axis_index("s")
    wid = sid * 2 + cid
    base = wid * PER_W

    pltpu.sync_copy(src_hbm.at[pl.ds(base, PER_W)], src_v)
    pltpu.sync_copy(dst_hbm.at[pl.ds(base, PER_W)], dst_v)

    iota16 = lax.iota(jnp.int32, LANES)
    sems = ((sem_a0, sem_b0), (sem_a1, sem_b1))

    def start(c, b):
        off = c * CHUNK
        pltpu.async_copy(
            a_hbm.at[src_v.at[pl.ds(off, CHUNK)]],
            arows_v.at[pl.ds(b * CHUNK, CHUNK)], sems[b][0])
        pltpu.async_copy(
            b_hbm.at[dst_v.at[pl.ds(off, CHUNK)]],
            brows_v.at[pl.ds(b * CHUNK, CHUNK)], sems[b][1])

    def wait(b):
        pltpu.make_async_copy(
            a_hbm.at[src_v.at[pl.ds(0, CHUNK)]],
            arows_v.at[pl.ds(b * CHUNK, CHUNK)], sems[b][0]).wait()
        pltpu.make_async_copy(
            b_hbm.at[dst_v.at[pl.ds(0, CHUNK)]],
            brows_v.at[pl.ds(b * CHUNK, CHUNK)], sems[b][1]).wait()

    start(0, 0)

    def chunk_body(c, carry):
        off = c * CHUNK
        parity = lax.rem(c, 2)

        @pl.when(c + 1 < NCHUNK)
        def _():
            @pl.when(parity == 0)
            def _():
                start(c + 1, 1)

            @pl.when(parity == 1)
            def _():
                start(c + 1, 0)

        @pl.when(parity == 0)
        def _():
            wait(0)

        @pl.when(parity == 1)
        def _():
            wait(1)

        bofs = parity * CHUNK

        def group_body(g, carry2):
            eoff = g * LANES
            for es in range(LANES):
                e = bofs + eoff + es
                prods = []
                for j in range(NPK):
                    a_pk = arows_v[e, pl.ds(j * 2 * LANES, 2 * LANES)]
                    b_pk = brows_v[e, pl.ds(j * 2 * LANES, 2 * LANES)]
                    prods.append(a_pk * b_pk)
                while len(prods) > 1:
                    prods = [prods[i] + prods[i + 1]
                             for i in range(0, len(prods), 2)]
                u0, u1 = plsc.unpack(
                    prods[0], format=plsc.PackFormat.INTERLEAVED)
                plsc.store_scatter(tile_v, [iota16 * LANES + es], u0 + u1)
            cols = [tile_v[pl.ds(c2 * LANES, LANES)] for c2 in range(LANES)]
            while len(cols) > 1:
                cols = [cols[i] + cols[i + 1] for i in range(0, len(cols), 2)]
            out_v[pl.ds(off + eoff, LANES)] = cols[0]
            return carry2

        lax.fori_loop(0, CHUNK // LANES, group_body, 0)
        return carry

    lax.fori_loop(0, NCHUNK, chunk_body, 0)
    pltpu.sync_copy(out_v, out_hbm.at[pl.ds(base, PER_W)])


@functools.partial(
    pl.kernel,
    out_type=jax.ShapeDtypeStruct((N_EDGES,), jnp.float32),
    mesh=plsc.VectorSubcoreMesh(core_axis_name="c", subcore_axis_name="s"),
    compiler_params=pltpu.CompilerParams(
        needs_layout_passes=False, use_tc_tiling_on_sc=False),
    scratch_types=[
        pltpu.VMEM((PER_W,), jnp.int32),
        pltpu.VMEM((PER_W,), jnp.int32),
        pltpu.VMEM((2 * CHUNK, N_HID), jnp.bfloat16),
        pltpu.VMEM((2 * CHUNK, N_HID), jnp.bfloat16),
        pltpu.VMEM((LANES * LANES,), jnp.float32),
        pltpu.VMEM((PER_W,), jnp.float32),
        pltpu.SemaphoreType.DMA,
        pltpu.SemaphoreType.DMA,
        pltpu.SemaphoreType.DMA,
        pltpu.SemaphoreType.DMA,
    ],
)
def _sc_call(a_hbm, b_hbm, src_hbm, dst_hbm, out_hbm,
             src_v, dst_v, arows_v, brows_v, tile_v, out_v, sem_a0, sem_b0,
             sem_a1, sem_b1):
    _sc_body(a_hbm, b_hbm, src_hbm, dst_hbm, out_hbm,
             src_v, dst_v, arows_v, brows_v, tile_v, out_v, sem_a0, sem_b0,
             sem_a1, sem_b1)


def kernel(emb, edge_index, d, scale):
    ds = (d * scale).reshape(1, N_HID)
    a, b = _prep(emb, ds)
    src = edge_index[0].astype(jnp.int32)
    dst = edge_index[1].astype(jnp.int32)
    z = _sc_call(a, b, src, dst)
    return z.reshape(N_EDGES, 1)

# --- scband reference (transcript-rebuilt; emitter-appended) ---
"""Pipeline reference for scband-local-emb-d-6597069767219 (READ-ONLY COPY).

The authoritative reference and input builder live on the scoring server;
editing this copy changes nothing except your own understanding.
"""

import jax, jax.numpy as jnp
import numpy as np

N_NODES = 10000
N_EDGES = 320000
N_HIDDEN = 128


def setup_inputs(seed: int = 0) -> dict:
    key = jax.random.key(seed)
    k1, k2 = jax.random.split(key)
    emb = jax.random.normal(k1, (N_NODES, N_HIDDEN), dtype=jnp.float32)
    edge_index = jax.random.randint(k2, (2, N_EDGES), 0, N_NODES, dtype=jnp.int64)
    # learned parameters per __init__: d = ones(n_hidden), scale = full((1,), 0.5)
    d = jnp.ones((N_HIDDEN,), dtype=jnp.float32)
    scale = jnp.full((1,), 0.5, dtype=jnp.float32)
    return {"emb": emb, "edge_index": edge_index, "d": d, "scale": scale}


def reference(emb, edge_index, d, scale):
    # F.normalize(emb, p=2) -> L2 normalize along dim=1 with eps=1e-12
    norm = jnp.linalg.norm(emb, ord=2, axis=1, keepdims=True)
    emb_n = emb / jnp.clip(norm, 1e-12, None)
    # g.ndata['e'] = emb_n ; g.ndata['ew'] = emb_n @ diag(d) == emb_n * d
    ew = emb_n * d
    src = edge_index[0]
    dst = edge_index[1]
    # u_dot_v('ew', 'e', 'z'): per-edge dot product of ew[src] and e[dst], shape (E, 1)
    z = jnp.sum(jnp.take(ew, src, axis=0) * jnp.take(emb_n, dst, axis=0), axis=-1, keepdims=True)
    return z * scale

if __name__ == "__main__":
    import jax
    _d = setup_inputs()
    print(jax.jit(kernel)(*tuple(_d.values())))

</pallas_src>

<mosaic_0001>
#map = affine_map<(d0, d1) -> (0, 0)>
#map1 = affine_map<(d0, d1) -> (0)>
module attributes {stable_mosaic.version = 14 : i64} {
  func.func @_sc_call(%arg0: i32, %arg1: i32, %arg2: memref<10000x128xbf16, #tpu.memory_space<hbm>>, %arg3: memref<10000x128xbf16, #tpu.memory_space<hbm>>, %arg4: memref<320000xi32, #tpu.memory_space<hbm>>, %arg5: memref<320000xi32, #tpu.memory_space<hbm>>, %arg6: memref<320000xf32, #tpu.memory_space<hbm>>, %arg7: memref<10000xi32, #tpu.memory_space<vmem>>, %arg8: memref<10000xi32, #tpu.memory_space<vmem>>, %arg9: memref<160x128xbf16, #tpu.memory_space<vmem>>, %arg10: memref<160x128xbf16, #tpu.memory_space<vmem>>, %arg11: memref<256xf32, #tpu.memory_space<vmem>>, %arg12: memref<10000xf32, #tpu.memory_space<vmem>>, %arg13: memref<!tpu.dma_semaphore, #tpu.memory_space<semaphore_mem>>, %arg14: memref<!tpu.dma_semaphore, #tpu.memory_space<semaphore_mem>>, %arg15: memref<!tpu.dma_semaphore, #tpu.memory_space<semaphore_mem>>, %arg16: memref<!tpu.dma_semaphore, #tpu.memory_space<semaphore_mem>>) attributes {dimension_semantics = [#tpu.dimension_semantics<core_parallel>, #tpu.dimension_semantics<subcore_parallel>], iteration_bounds = array<i64: 2, 16>, scalar_prefetch = 0 : i64, scratch_operands = 10 : i64, tpu.core_type = #tpu.core_type<sc_vector_subcore>, window_params = [{transform_indices = #map}, {transform_indices = #map}, {transform_indices = #map1}, {transform_indices = #map1}, {transform_indices = #map1}]} {
    %mul3A = arith.constant 2 : i32
    %mul3A_0 = arith.muli %arg1, %mul3A : i32
    %add3A = arith.addi %mul3A_0, %arg0 : i32
    %mul3A_1 = arith.constant 10000 : i32
    %mul3A_2 = arith.muli %add3A, %mul3A_1 : i32
    "tpu.region"() ({
      %run_scoped3A = tpu.sem_alloc : memref<!tpu.dma_semaphore, #tpu.memory_space<semaphore_mem>>
      %dma_start3A_23 = tpu.memref_slice %arg4[%mul3A_2] : memref<320000xi32, #tpu.memory_space<hbm>> -> memref<10000xi32, #tpu.memory_space<hbm>>
      %dma_start3A_24 = tpu.memref_slice %arg4[%mul3A_2] : memref<320000xi32, #tpu.memory_space<hbm>> -> memref<10000xi32, #tpu.memory_space<hbm>>
      tpu.enqueue_dma source(%dma_start3A_24 : memref<10000xi32, #tpu.memory_space<hbm>>) target(%arg7 : memref<10000xi32, #tpu.memory_space<vmem>>) target_semaphore(%run_scoped3A : memref<!tpu.dma_semaphore, #tpu.memory_space<semaphore_mem>>)
      %dma_wait3A = tpu.memref_slice %arg4[%mul3A_2] : memref<320000xi32, #tpu.memory_space<hbm>> -> memref<10000xi32, #tpu.memory_space<hbm>>
      %dma_wait3A_25 = tpu.memref_slice %arg4[%mul3A_2] : memref<320000xi32, #tpu.memory_space<hbm>> -> memref<10000xi32, #tpu.memory_space<hbm>>
      tpu.wait_dma2 semaphore(%run_scoped3A : memref<!tpu.dma_semaphore, #tpu.memory_space<semaphore_mem>>) src(%dma_wait3A_25 : memref<10000xi32, #tpu.memory_space<hbm>>) dst(%arg7 : memref<10000xi32, #tpu.memory_space<vmem>>)
      tpu.yield
    }) : () -> ()
    "tpu.region"() ({
      %run_scoped3A = tpu.sem_alloc : memref<!tpu.dma_semaphore, #tpu.memory_space<semaphore_mem>>
      %dma_start3A_23 = tpu.memref_slice %arg5[%mul3A_2] : memref<320000xi32, #tpu.memory_space<hbm>> -> memref<10000xi32, #tpu.memory_space<hbm>>
      %dma_start3A_24 = tpu.memref_slice %arg5[%mul3A_2] : memref<320000xi32, #tpu.memory_space<hbm>> -> memref<10000xi32, #tpu.memory_space<hbm>>
      tpu.enqueue_dma source(%dma_start3A_24 : memref<10000xi32, #tpu.memory_space<hbm>>) target(%arg8 : memref<10000xi32, #tpu.memory_space<vmem>>) target_semaphore(%run_scoped3A : memref<!tpu.dma_semaphore, #tpu.memory_space<semaphore_mem>>)
      %dma_wait3A = tpu.memref_slice %arg5[%mul3A_2] : memref<320000xi32, #tpu.memory_space<hbm>> -> memref<10000xi32, #tpu.memory_space<hbm>>
      %dma_wait3A_25 = tpu.memref_slice %arg5[%mul3A_2] : memref<320000xi32, #tpu.memory_space<hbm>> -> memref<10000xi32, #tpu.memory_space<hbm>>
      tpu.wait_dma2 semaphore(%run_scoped3A : memref<!tpu.dma_semaphore, #tpu.memory_space<semaphore_mem>>) src(%dma_wait3A_25 : memref<10000xi32, #tpu.memory_space<hbm>>) dst(%arg8 : memref<10000xi32, #tpu.memory_space<vmem>>)
      tpu.yield
    }) : () -> ()
    %iota3A = tpu.iota {dimensions = array<i32: 0>} : vector<16xi32>
    %dma_start3A = arith.constant 0 : i32
    %dma_start3A_3 = arith.constant 0 : i32
    %dma_start3A_4 = tpu.memref_slice %arg9[%dma_start3A, %dma_start3A_3] : memref<160x128xbf16, #tpu.memory_space<vmem>> -> memref<80x128xbf16, #tpu.memory_space<vmem>>
    %dma_start3A_5 = arith.constant 0 : i32
    %dma_start3A_6 = tpu.memref_slice %arg7[%dma_start3A_5] : memref<10000xi32, #tpu.memory_space<vmem>> -> memref<80xi32, #tpu.memory_space<vmem>>
    %dma_start3A_7 = arith.constant 0 : i32
    %dma_start3A_8 = arith.constant 0 : i32
    %dma_start3A_9 = tpu.memref_slice %arg2[%dma_start3A_7, %dma_start3A_8] : memref<10000x128xbf16, #tpu.memory_space<hbm>> -> memref<10000x128xbf16, #tpu.memory_space<hbm>>
    tpu.enqueue_indirect_dma source(%dma_start3A_9 : memref<10000x128xbf16, #tpu.memory_space<hbm>>) target(%dma_start3A_4 : memref<80x128xbf16, #tpu.memory_space<vmem>>) offsets(%dma_start3A_6 : memref<80xi32, #tpu.memory_space<vmem>>) semaphore(%arg13 : memref<!tpu.dma_semaphore, #tpu.memory_space<semaphore_mem>>)
    %dma_start3A_10 = arith.constant 0 : i32
    %dma_start3A_11 = arith.constant 0 : i32
    %dma_start3A_12 = tpu.memref_slice %arg10[%dma_start3A_10, %dma_start3A_11] : memref<160x128xbf16, #tpu.memory_space<vmem>> -> memref<80x128xbf16, #tpu.memory_space<vmem>>
    %dma_start3A_13 = arith.constant 0 : i32
    %dma_start3A_14 = tpu.memref_slice %arg8[%dma_start3A_13] : memref<10000xi32, #tpu.memory_space<vmem>> -> memref<80xi32, #tpu.memory_space<vmem>>
    %dma_start3A_15 = arith.constant 0 : i32
    %dma_start3A_16 = arith.constant 0 : i32
    %dma_start3A_17 = tpu.memref_slice %arg3[%dma_start3A_15, %dma_start3A_16] : memref<10000x128xbf16, #tpu.memory_space<hbm>> -> memref<10000x128xbf16, #tpu.memory_space<hbm>>
    tpu.enqueue_indirect_dma source(%dma_start3A_17 : memref<10000x128xbf16, #tpu.memory_space<hbm>>) target(%dma_start3A_12 : memref<80x128xbf16, #tpu.memory_space<vmem>>) offsets(%dma_start3A_14 : memref<80xi32, #tpu.memory_space<vmem>>) semaphore(%arg14 : memref<!tpu.dma_semaphore, #tpu.memory_space<semaphore_mem>>)
    %scan3A = arith.constant 0 : i32
    %scan3A_18 = arith.constant 0 : i32
    %scan3A_19 = arith.constant 125 : i32
    %scan3A_20 = arith.addi %scan3A_18, %scan3A_19 : i32
    %scan3A_21 = arith.constant 1 : i32
    scf.for %scan3A_23 = %scan3A_18 to %scan3A_20 step %scan3A_21  : i32 {
      %mul3A_24 = arith.constant 80 : i32
      %mul3A_25 = arith.muli %scan3A_23, %mul3A_24 : i32
      %rem3A = arith.constant 2 : i32
      %rem3A_26 = arith.remsi %scan3A_23, %rem3A : i32
      %add3A_27 = arith.constant 1 : i32
      %add3A_28 = arith.addi %scan3A_23, %add3A_27 : i32
      %lt3A = arith.constant 125 : i32
      %lt3A_29 = arith.cmpi slt, %add3A_28, %lt3A : i32
      %convert_element_type3A = arith.extui %lt3A_29 : i1 to i32
      %cond3A = arith.constant 0 : i32
      %cond3A_30 = arith.cmpi ne, %convert_element_type3A, %cond3A : i32
      scf.if %cond3A_30 {
        %eq3A_48 = arith.constant 0 : i32
        %eq3A_49 = arith.cmpi eq, %rem3A_26, %eq3A_48 : i32
        %convert_element_type3A_50 = arith.extui %eq3A_49 : i1 to i32
        %cond3A_51 = arith.constant 0 : i32
        %cond3A_52 = arith.cmpi ne, %convert_element_type3A_50, %cond3A_51 : i32
        scf.if %cond3A_52 {
          %add3A_58 = arith.constant 1 : i32
          %add3A_59 = arith.addi %scan3A_23, %add3A_58 : i32
          %mul3A_60 = arith.constant 80 : i32
          %mul3A_61 = arith.muli %add3A_59, %mul3A_60 : i32
          %dma_start3A_62 = arith.constant 80 : i32
          %dma_start3A_63 = arith.constant 0 : i32
          %dma_start3A_64 = tpu.memref_slice %arg9[%dma_start3A_62, %dma_start3A_63] : memref<160x128xbf16, #tpu.memory_space<vmem>> -> memref<80x128xbf16, #tpu.memory_space<vmem>>
          %dma_start3A_65 = tpu.memref_slice %arg7[%mul3A_61] : memref<10000xi32, #tpu.memory_space<vmem>> -> memref<80xi32, #tpu.memory_space<vmem>>
          %dma_start3A_66 = arith.constant 0 : i32
          %dma_start3A_67 = arith.constant 0 : i32
          %dma_start3A_68 = tpu.memref_slice %arg2[%dma_start3A_66, %dma_start3A_67] : memref<10000x128xbf16, #tpu.memory_space<hbm>> -> memref<10000x128xbf16, #tpu.memory_space<hbm>>
          tpu.enqueue_indirect_dma source(%dma_start3A_68 : memref<10000x128xbf16, #tpu.memory_space<hbm>>) target(%dma_start3A_64 : memref<80x128xbf16, #tpu.memory_space<vmem>>) offsets(%dma_start3A_65 : memref<80xi32, #tpu.memory_space<vmem>>) semaphore(%arg15 : memref<!tpu.dma_semaphore, #tpu.memory_space<semaphore_mem>>)
          %dma_start3A_69 = arith.constant 80 : i32
          %dma_start3A_70 = arith.constant 0 : i32
          %dma_start3A_71 = tpu.memref_slice %arg10[%dma_start3A_69, %dma_start3A_70] : memref<160x128xbf16, #tpu.memory_space<vmem>> -> memref<80x128xbf16, #tpu.memory_space<vmem>>
          %dma_start3A_72 = tpu.memref_slice %arg8[%mul3A_61] : memref<10000xi32, #tpu.memory_space<vmem>> -> memref<80xi32, #tpu.memory_space<vmem>>
          %dma_start3A_73 = arith.constant 0 : i32
          %dma_start3A_74 = arith.constant 0 : i32
          %dma_start3A_75 = tpu.memref_slice %arg3[%dma_start3A_73, %dma_start3A_74] : memref<10000x128xbf16, #tpu.memory_space<hbm>> -> memref<10000x128xbf16, #tpu.memory_space<hbm>>
          tpu.enqueue_indirect_dma source(%dma_start3A_75 : memref<10000x128xbf16, #tpu.memory_space<hbm>>) target(%dma_start3A_71 : memref<80x128xbf16, #tpu.memory_space<vmem>>) offsets(%dma_start3A_72 : memref<80xi32, #tpu.memory_space<vmem>>) semaphore(%arg16 : memref<!tpu.dma_semaphore, #tpu.memory_space<semaphore_mem>>)
        } else {
        }
        %eq3A_53 = arith.constant 1 : i32
        %eq3A_54 = arith.cmpi eq, %rem3A_26, %eq3A_53 : i32
        %convert_element_type3A_55 = arith.extui %eq3A_54 : i1 to i32
        %cond3A_56 = arith.constant 0 : i32
        %cond3A_57 = arith.cmpi ne, %convert_element_type3A_55, %cond3A_56 : i32
        scf.if %cond3A_57 {
          %add3A_58 = arith.constant 1 : i32
          %add3A_59 = arith.addi %scan3A_23, %add3A_58 : i32
          %mul3A_60 = arith.constant 80 : i32
          %mul3A_61 = arith.muli %add3A_59, %mul3A_60 : i32
          %dma_start3A_62 = arith.constant 0 : i32
          %dma_start3A_63 = arith.constant 0 : i32
          %dma_start3A_64 = tpu.memref_slice %arg9[%dma_start3A_62, %dma_start3A_63] : memref<160x128xbf16, #tpu.memory_space<vmem>> -> memref<80x128xbf16, #tpu.memory_space<vmem>>
          %dma_start3A_65 = tpu.memref_slice %arg7[%mul3A_61] : memref<10000xi32, #tpu.memory_space<vmem>> -> memref<80xi32, #tpu.memory_space<vmem>>
          %dma_start3A_66 = arith.constant 0 : i32
          %dma_start3A_67 = arith.constant 0 : i32
          %dma_start3A_68 = tpu.memref_slice %arg2[%dma_start3A_66, %dma_start3A_67] : memref<10000x128xbf16, #tpu.memory_space<hbm>> -> memref<10000x128xbf16, #tpu.memory_space<hbm>>
          tpu.enqueue_indirect_dma source(%dma_start3A_68 : memref<10000x128xbf16, #tpu.memory_space<hbm>>) target(%dma_start3A_64 : memref<80x128xbf16, #tpu.memory_space<vmem>>) offsets(%dma_start3A_65 : memref<80xi32, #tpu.memory_space<vmem>>) semaphore(%arg13 : memref<!tpu.dma_semaphore, #tpu.memory_space<semaphore_mem>>)
          %dma_start3A_69 = arith.constant 0 : i32
          %dma_start3A_70 = arith.constant 0 : i32
          %dma_start3A_71 = tpu.memref_slice %arg10[%dma_start3A_69, %dma_start3A_70] : memref<160x128xbf16, #tpu.memory_space<vmem>> -> memref<80x128xbf16, #tpu.memory_space<vmem>>
          %dma_start3A_72 = tpu.memref_slice %arg8[%mul3A_61] : memref<10000xi32, #tpu.memory_space<vmem>> -> memref<80xi32, #tpu.memory_space<vmem>>
          %dma_start3A_73 = arith.constant 0 : i32
          %dma_start3A_74 = arith.constant 0 : i32
          %dma_start3A_75 = tpu.memref_slice %arg3[%dma_start3A_73, %dma_start3A_74] : memref<10000x128xbf16, #tpu.memory_space<hbm>> -> memref<10000x128xbf16, #tpu.memory_space<hbm>>
          tpu.enqueue_indirect_dma source(%dma_start3A_75 : memref<10000x128xbf16, #tpu.memory_space<hbm>>) target(%dma_start3A_71 : memref<80x128xbf16, #tpu.memory_space<vmem>>) offsets(%dma_start3A_72 : memref<80xi32, #tpu.memory_space<vmem>>) semaphore(%arg14 : memref<!tpu.dma_semaphore, #tpu.memory_space<semaphore_mem>>)
        } else {
        }
      } else {
      }
      %eq3A = arith.constant 0 : i32
      %eq3A_31 = arith.cmpi eq, %rem3A_26, %eq3A : i32
      %convert_element_type3A_32 = arith.extui %eq3A_31 : i1 to i32
      %cond3A_33 = arith.constant 0 : i32
      %cond3A_34 = arith.cmpi ne, %convert_element_type3A_32, %cond3A_33 : i32
      scf.if %cond3A_34 {
        %dma_wait3A = arith.constant 0 : i32
        %dma_wait3A_48 = arith.constant 0 : i32
        %dma_wait3A_49 = tpu.memref_slice %arg9[%dma_wait3A, %dma_wait3A_48] : memref<160x128xbf16, #tpu.memory_space<vmem>> -> memref<80x128xbf16, #tpu.memory_space<vmem>>
        %dma_wait3A_50 = arith.constant 0 : i32
        %dma_wait3A_51 = tpu.memref_slice %arg7[%dma_wait3A_50] : memref<10000xi32, #tpu.memory_space<vmem>> -> memref<80xi32, #tpu.memory_space<vmem>>
        %dma_wait3A_52 = arith.constant 0 : i32
        %dma_wait3A_53 = arith.constant 0 : i32
        %dma_wait3A_54 = tpu.memref_slice %arg2[%dma_wait3A_52, %dma_wait3A_53] : memref<10000x128xbf16, #tpu.memory_space<hbm>> -> memref<10000x128xbf16, #tpu.memory_space<hbm>>
        tpu.wait_indirect_dma semaphore(%arg13 : memref<!tpu.dma_semaphore, #tpu.memory_space<semaphore_mem>>) src(%dma_wait3A_54 : memref<10000x128xbf16, #tpu.memory_space<hbm>>) dst(%dma_wait3A_49 : memref<80x128xbf16, #tpu.memory_space<vmem>>)
        %dma_wait3A_55 = arith.constant 0 : i32
        %dma_wait3A_56 = arith.constant 0 : i32
        %dma_wait3A_57 = tpu.memref_slice %arg10[%dma_wait3A_55, %dma_wait3A_56] : memref<160x128xbf16, #tpu.memory_space<vmem>> -> memref<80x128xbf16, #tpu.memory_space<vmem>>
        %dma_wait3A_58 = arith.constant 0 : i32
        %dma_wait3A_59 = tpu.memref_slice %arg8[%dma_wait3A_58] : memref<10000xi32, #tpu.memory_space<vmem>> -> memref<80xi32, #tpu.memory_space<vmem>>
        %dma_wait3A_60 = arith.constant 0 : i32
        %dma_wait3A_61 = arith.constant 0 : i32
        %dma_wait3A_62 = tpu.memref_slice %arg3[%dma_wait3A_60, %dma_wait3A_61] : memref<10000x128xbf16, #tpu.memory_space<hbm>> -> memref<10000x128xbf16, #tpu.memory_space<hbm>>
        tpu.wait_indirect_dma semaphore(%arg14 : memref<!tpu.dma_semaphore, #tpu.memory_space<semaphore_mem>>) src(%dma_wait3A_62 : memref<10000x128xbf16, #tpu.memory_space<hbm>>) dst(%dma_wait3A_57 : memref<80x128xbf16, #tpu.memory_space<vmem>>)
      } else {
      }
      %eq3A_35 = arith.constant 1 : i32
      %eq3A_36 = arith.cmpi eq, %rem3A_26, %eq3A_35 : i32
      %convert_element_type3A_37 = arith.extui %eq3A_36 : i1 to i32
      %cond3A_38 = arith.constant 0 : i32
      %cond3A_39 = arith.cmpi ne, %convert_element_type3A_37, %cond3A_38 : i32
      scf.if %cond3A_39 {
        %dma_wait3A = arith.constant 80 : i32
        %dma_wait3A_48 = arith.constant 0 : i32
        %dma_wait3A_49 = tpu.memref_slice %arg9[%dma_wait3A, %dma_wait3A_48] : memref<160x128xbf16, #tpu.memory_space<vmem>> -> memref<80x128xbf16, #tpu.memory_space<vmem>>
        %dma_wait3A_50 = arith.constant 0 : i32
        %dma_wait3A_51 = tpu.memref_slice %arg7[%dma_wait3A_50] : memref<10000xi32, #tpu.memory_space<vmem>> -> memref<80xi32, #tpu.memory_space<vmem>>
        %dma_wait3A_52 = arith.constant 0 : i32
        %dma_wait3A_53 = arith.constant 0 : i32
        %dma_wait3A_54 = tpu.memref_slice %arg2[%dma_wait3A_52, %dma_wait3A_53] : memref<10000x128xbf16, #tpu.memory_space<hbm>> -> memref<10000x128xbf16, #tpu.memory_space<hbm>>
        tpu.wait_indirect_dma semaphore(%arg15 : memref<!tpu.dma_semaphore, #tpu.memory_space<semaphore_mem>>) src(%dma_wait3A_54 : memref<10000x128xbf16, #tpu.memory_space<hbm>>) dst(%dma_wait3A_49 : memref<80x128xbf16, #tpu.memory_space<vmem>>)
        %dma_wait3A_55 = arith.constant 80 : i32
        %dma_wait3A_56 = arith.constant 0 : i32
        %dma_wait3A_57 = tpu.memref_slice %arg10[%dma_wait3A_55, %dma_wait3A_56] : memref<160x128xbf16, #tpu.memory_space<vmem>> -> memref<80x128xbf16, #tpu.memory_space<vmem>>
        %dma_wait3A_58 = arith.constant 0 : i32
        %dma_wait3A_59 = tpu.memref_slice %arg8[%dma_wait3A_58] : memref<10000xi32, #tpu.memory_space<vmem>> -> memref<80xi32, #tpu.memory_space<vmem>>
        %dma_wait3A_60 = arith.constant 0 : i32
        %dma_wait3A_61 = arith.constant 0 : i32
        %dma_wait3A_62 = tpu.memref_slice %arg3[%dma_wait3A_60, %dma_wait3A_61] : memref<10000x128xbf16, #tpu.memory_space<hbm>> -> memref<10000x128xbf16, #tpu.memory_space<hbm>>
        tpu.wait_indirect_dma semaphore(%arg16 : memref<!tpu.dma_semaphore, #tpu.memory_space<semaphore_mem>>) src(%dma_wait3A_62 : memref<10000x128xbf16, #tpu.memory_space<hbm>>) dst(%dma_wait3A_57 : memref<80x128xbf16, #tpu.memory_space<vmem>>)
      } else {
      }
      %mul3A_40 = arith.constant 80 : i32
      %mul3A_41 = arith.muli %rem3A_26, %mul3A_40 : i32
      %scan3A_42 = arith.constant 0 : i32
      %scan3A_43 = arith.constant 0 : i32
      %scan3A_44 = arith.constant 5 : i32
      %scan3A_45 = arith.addi %scan3A_43, %scan3A_44 : i32
      %scan3A_46 = arith.constant 1 : i32
      scf.for %scan3A_48 = %scan3A_43 to %scan3A_45 step %scan3A_46  : i32 {
        %mul3A_49 = arith.constant 16 : i32
        %mul3A_50 = arith.muli %scan3A_48, %mul3A_49 : i32
        %add3A_51 = arith.addi %mul3A_41, %mul3A_50 : i32
        %add3A_52 = arith.constant 0 : i32
        %add3A_53 = arith.addi %add3A_51, %add3A_52 : i32
        %get3A = arith.index_cast %add3A_53 : i32 to index
        %get3A_54 = arith.constant 0 : index
        %get3A_55 = tpu.vector_load %arg9[%get3A, %get3A_54] {strides = array<i32>} : memref<160x128xbf16, #tpu.memory_space<vmem>>, vector<32xbf16>,
        %get3A_56 = arith.index_cast %add3A_53 : i32 to index
        %get3A_57 = arith.constant 0 : index
        %get3A_58 = tpu.vector_load %arg10[%get3A_56, %get3A_57] {strides = array<i32>} : memref<160x128xbf16, #tpu.memory_space<vmem>>, vector<32xbf16>,
        %mul3A_59 = arith.mulf %get3A_55, %get3A_58 : vector<32xbf16>
        %get3A_60 = arith.index_cast %add3A_53 : i32 to index
        %get3A_61 = arith.constant 32 : index
        %get3A_62 = tpu.vector_load %arg9[%get3A_60, %get3A_61] {strides = array<i32>} : memref<160x128xbf16, #tpu.memory_space<vmem>>, vector<32xbf16>,
        %get3A_63 = arith.index_cast %add3A_53 : i32 to index
        %get3A_64 = arith.constant 32 : index
        %get3A_65 = tpu.vector_load %arg10[%get3A_63, %get3A_64] {strides = array<i32>} : memref<160x128xbf16, #tpu.memory_space<vmem>>, vector<32xbf16>,
        %mul3A_66 = arith.mulf %get3A_62, %get3A_65 : vector<32xbf16>
        %get3A_67 = arith.index_cast %add3A_53 : i32 to index
        %get3A_68 = arith.constant 64 : index
        %get3A_69 = tpu.vector_load %arg9[%get3A_67, %get3A_68] {strides = array<i32>} : memref<160x128xbf16, #tpu.memory_space<vmem>>, vector<32xbf16>,
        %get3A_70 = arith.index_cast %add3A_53 : i32 to index
        %get3A_71 = arith.constant 64 : index
        %get3A_72 = tpu.vector_load %arg10[%get3A_70, %get3A_71] {strides = array<i32>} : memref<160x128xbf16, #tpu.memory_space<vmem>>, vector<32xbf16>,
        %mul3A_73 = arith.mulf %get3A_69, %get3A_72 : vector<32xbf16>
        %get3A_74 = arith.index_cast %add3A_53 : i32 to index
        %get3A_75 = arith.constant 96 : index
        %get3A_76 = tpu.vector_load %arg9[%get3A_74, %get3A_75] {strides = array<i32>} : memref<160x128xbf16, #tpu.memory_space<vmem>>, vector<32xbf16>,
        %get3A_77 = arith.index_cast %add3A_53 : i32 to index
        %get3A_78 = arith.constant 96 : index
        %get3A_79 = tpu.vector_load %arg10[%get3A_77, %get3A_78] {strides = array<i32>} : memref<160x128xbf16, #tpu.memory_space<vmem>>, vector<32xbf16>,
        %mul3A_80 = arith.mulf %get3A_76, %get3A_79 : vector<32xbf16>
        %add3A_81 = arith.addf %mul3A_59, %mul3A_66 : vector<32xbf16>
        %add3A_82 = arith.addf %mul3A_73, %mul3A_80 : vector<32xbf16>
        %add3A_83 = arith.addf %add3A_81, %add3A_82 : vector<32xbf16>
        %unpack3A = tpu.unpack_subelements %add3A_83, 0 {pack_format = #tpu.pack_format<interleaved>} : vector<32xbf16> -> vector<16xf32>
        %unpack3A_84 = tpu.unpack_subelements %add3A_83, 1 {pack_format = #tpu.pack_format<interleaved>} : vector<32xbf16> -> vector<16xf32>
        %mul3A_85 = arith.constant 16 : i32
        %mul3A_86 = vector.broadcast %mul3A_85 : i32 to vector<16xi32>
        %mul3A_87 = arith.muli %iota3A, %mul3A_86 : vector<16xi32>
        %add3A_88 = arith.constant 0 : i32
        %add3A_89 = vector.broadcast %add3A_88 : i32 to vector<16xi32>
        %add3A_90 = arith.addi %mul3A_87, %add3A_89 : vector<16xi32>
        %add3A_91 = arith.addf %unpack3A, %unpack3A_84 : vector<16xf32>
        tpu.vector_store_idx %arg11[%add3A_90], %add3A_91 : memref<256xf32, #tpu.memory_space<vmem>>[vector<16xi32>], vector<16xf32>,
        %add3A_92 = arith.addi %mul3A_41, %mul3A_50 : i32
        %add3A_93 = arith.constant 1 : i32
        %add3A_94 = arith.addi %add3A_92, %add3A_93 : i32
        %get3A_95 = arith.index_cast %add3A_94 : i32 to index
        %get3A_96 = arith.constant 0 : index
        %get3A_97 = tpu.vector_load %arg9[%get3A_95, %get3A_96] {strides = array<i32>} : memref<160x128xbf16, #tpu.memory_space<vmem>>, vector<32xbf16>,
        %get3A_98 = arith.index_cast %add3A_94 : i32 to index
        %get3A_99 = arith.constant 0 : index
        %get3A_100 = tpu.vector_load %arg10[%get3A_98, %get3A_99] {strides = array<i32>} : memref<160x128xbf16, #tpu.memory_space<vmem>>, vector<32xbf16>,
        %mul3A_101 = arith.mulf %get3A_97, %get3A_100 : vector<32xbf16>
        %get3A_102 = arith.index_cast %add3A_94 : i32 to index
        %get3A_103 = arith.constant 32 : index
        %get3A_104 = tpu.vector_load %arg9[%get3A_102, %get3A_103] {strides = array<i32>} : memref<160x128xbf16, #tpu.memory_space<vmem>>, vector<32xbf16>,
        %get3A_105 = arith.index_cast %add3A_94 : i32 to index
        %get3A_106 = arith.constant 32 : index
        %get3A_107 = tpu.vector_load %arg10[%get3A_105, %get3A_106] {strides = array<i32>} : memref<160x128xbf16, #tpu.memory_space<vmem>>, vector<32xbf16>,
        %mul3A_108 = arith.mulf %get3A_104, %get3A_107 : vector<32xbf16>
        %get3A_109 = arith.index_cast %add3A_94 : i32 to index
        %get3A_110 = arith.constant 64 : index
        %get3A_111 = tpu.vector_load %arg9[%get3A_109, %get3A_110] {strides = array<i32>} : memref<160x128xbf16, #tpu.memory_space<vmem>>, vector<32xbf16>,
        %get3A_112 = arith.index_cast %add3A_94 : i32 to index
        %get3A_113 = arith.constant 64 : index
        %get3A_114 = tpu.vector_load %arg10[%get3A_112, %get3A_113] {strides = array<i32>} : memref<160x128xbf16, #tpu.memory_space<vmem>>, vector<32xbf16>,
        %mul3A_115 = arith.mulf %get3A_111, %get3A_114 : vector<32xbf16>
        %get3A_116 = arith.index_cast %add3A_94 : i32 to index
        %get3A_117 = arith.constant 96 : index
        %get3A_118 = tpu.vector_load %arg9[%get3A_116, %get3A_117] {strides = array<i32>} : memref<160x128xbf16, #tpu.memory_space<vmem>>, vector<32xbf16>,
        %get3A_119 = arith.index_cast %add3A_94 : i32 to index
        %get3A_120 = arith.constant 96 : index
        %get3A_121 = tpu.vector_load %arg10[%get3A_119, %get3A_120] {strides = array<i32>} : memref<160x128xbf16, #tpu.memory_space<vmem>>, vector<32xbf16>,
        %mul3A_122 = arith.mulf %get3A_118, %get3A_121 : vector<32xbf16>
        %add3A_123 = arith.addf %mul3A_101, %mul3A_108 : vector<32xbf16>
        %add3A_124 = arith.addf %mul3A_115, %mul3A_122 : vector<32xbf16>
        %add3A_125 = arith.addf %add3A_123, %add3A_124 : vector<32xbf16>
        %unpack3A_126 = tpu.unpack_subelements %add3A_125, 0 {pack_format = #tpu.pack_format<interleaved>} : vector<32xbf16> -> vector<16xf32>
        %unpack3A_127 = tpu.unpack_subelements %add3A_125, 1 {pack_format = #tpu.pack_format<interleaved>} : vector<32xbf16> -> vector<16xf32>
        %mul3A_128 = arith.constant 16 : i32
        %mul3A_129 = vector.broadcast %mul3A_128 : i32 to vector<16xi32>
        %mul3A_130 = arith.muli %iota3A, %mul3A_129 : vector<16xi32>
        %add3A_131 = arith.constant 1 : i32
        %add3A_132 = vector.broadcast %add3A_131 : i32 to vector<16xi32>
        %add3A_133 = arith.addi %mul3A_130, %add3A_132 : vector<16xi32>
        %add3A_134 = arith.addf %unpack3A_126, %unpack3A_127 : vector<16xf32>
        tpu.vector_store_idx %arg11[%add3A_133], %add3A_134 : memref<256xf32, #tpu.memory_space<vmem>>[vector<16xi32>], vector<16xf32>,
        %add3A_135 = arith.addi %mul3A_41, %mul3A_50 : i32
        %add3A_136 = arith.constant 2 : i32
        %add3A_137 = arith.addi %add3A_135, %add3A_136 : i32
        %get3A_138 = arith.index_cast %add3A_137 : i32 to index
        %get3A_139 = arith.constant 0 : index
        %get3A_140 = tpu.vector_load %arg9[%get3A_138, %get3A_139] {strides = array<i32>} : memref<160x128xbf16, #tpu.memory_space<vmem>>, vector<32xbf16>,
        %get3A_141 = arith.index_cast %add3A_137 : i32 to index
        %get3A_142 = arith.constant 0 : index
        %get3A_143 = tpu.vector_load %arg10[%get3A_141, %get3A_142] {strides = array<i32>} : memref<160x128xbf16, #tpu.memory_space<vmem>>, vector<32xbf16>,
        %mul3A_144 = arith.mulf %get3A_140, %get3A_143 : vector<32xbf16>
        %get3A_145 = arith.index_cast %add3A_137 : i32 to index
        %get3A_146 = arith.constant 32 : index
        %get3A_147 = tpu.vector_load %arg9[%get3A_145, %get3A_146] {strides = array<i32>} : memref<160x128xbf16, #tpu.memory_space<vmem>>, vector<32xbf16>,
        %get3A_148 = arith.index_cast %add3A_137 : i32 to index
        %get3A_149 = arith.constant 32 : index
        %get3A_150 = tpu.vector_load %arg10[%get3A_148, %get3A_149] {strides = array<i32>} : memref<160x128xbf16, #tpu.memory_space<vmem>>, vector<32xbf16>,
        %mul3A_151 = arith.mulf %get3A_147, %get3A_150 : vector<32xbf16>
        %get3A_152 = arith.index_cast %add3A_137 : i32 to index
        %get3A_153 = arith.constant 64 : index
        %get3A_154 = tpu.vector_load %arg9[%get3A_152, %get3A_153] {strides = array<i32>} : memref<160x128xbf16, #tpu.memory_space<vmem>>, vector<32xbf16>,
        %get3A_155 = arith.index_cast %add3A_137 : i32 to index
        %get3A_156 = arith.constant 64 : index
        %get3A_157 = tpu.vector_load %arg10[%get3A_155, %get3A_156] {strides = array<i32>} : memref<160x128xbf16, #tpu.memory_space<vmem>>, vector<32xbf16>,
        %mul3A_158 = arith.mulf %get3A_154, %get3A_157 : vector<32xbf16>
        %get3A_159 = arith.index_cast %add3A_137 : i32 to index
        %get3A_160 = arith.constant 96 : index
        %get3A_161 = tpu.vector_load %arg9[%get3A_159, %get3A_160] {strides = array<i32>} : memref<160x128xbf16, #tpu.memory_space<vmem>>, vector<32xbf16>,
        %get3A_162 = arith.index_cast %add3A_137 : i32 to index
        %get3A_163 = arith.constant 96 : index
        %get3A_164 = tpu.vector_load %arg10[%get3A_162, %get3A_163] {strides = array<i32>} : memref<160x128xbf16, #tpu.memory_space<vmem>>, vector<32xbf16>,
        %mul3A_165 = arith.mulf %get3A_161, %get3A_164 : vector<32xbf16>
        %add3A_166 = arith.addf %mul3A_144, %mul3A_151 : vector<32xbf16>
        %add3A_167 = arith.addf %mul3A_158, %mul3A_165 : vector<32xbf16>
        %add3A_168 = arith.addf %add3A_166, %add3A_167 : vector<32xbf16>
        %unpack3A_169 = tpu.unpack_subelements %add3A_168, 0 {pack_format = #tpu.pack_format<interleaved>} : vector<32xbf16> -> vector<16xf32>
        %unpack3A_170 = tpu.unpack_subelements %add3A_168, 1 {pack_format = #tpu.pack_format<interleaved>} : vector<32xbf16> -> vector<16xf32>
        %mul3A_171 = arith.constant 16 : i32
        %mul3A_172 = vector.broadcast %mul3A_171 : i32 to vector<16xi32>
        %mul3A_173 = arith.muli %iota3A, %mul3A_172 : vector<16xi32>
        %add3A_174 = arith.constant 2 : i32
        %add3A_175 = vector.broadcast %add3A_174 : i32 to vector<16xi32>
        %add3A_176 = arith.addi %mul3A_173, %add3A_175 : vector<16xi32>
        %add3A_177 = arith.addf %unpack3A_169, %unpack3A_170 : vector<16xf32>
        tpu.vector_store_idx %arg11[%add3A_176], %add3A_177 : memref<256xf32, #tpu.memory_space<vmem>>[vector<16xi32>], vector<16xf32>,
        %add3A_178 = arith.addi %mul3A_41, %mul3A_50 : i32
        %add3A_179 = arith.constant 3 : i32
        %add3A_180 = arith.addi %add3A_178, %add3A_179 : i32
        %get3A_181 = arith.index_cast %add3A_180 : i32 to index
        %get3A_182 = arith.constant 0 : index
        %get3A_183 = tpu.vector_load %arg9[%get3A_181, %get3A_182] {strides = array<i32>} : memref<160x128xbf16, #tpu.memory_space<vmem>>, vector<32xbf16>,
        %get3A_184 = arith.index_cast %add3A_180 : i32 to index
        %get3A_185 = arith.constant 0 : index
        %get3A_186 = tpu.vector_load %arg10[%get3A_184, %get3A_185] {strides = array<i32>} : memref<160x128xbf16, #tpu.memory_space<vmem>>, vector<32xbf16>,
        %mul3A_187 = arith.mulf %get3A_183, %get3A_186 : vector<32xbf16>
        %get3A_188 = arith.index_cast %add3A_180 : i32 to index
        %get3A_189 = arith.constant 32 : index
        %get3A_190 = tpu.vector_load %arg9[%get3A_188, %get3A_189] {strides = array<i32>} : memref<160x128xbf16, #tpu.memory_space<vmem>>, vector<32xbf16>,
        %get3A_191 = arith.index_cast %add3A_180 : i32 to index
        %get3A_192 = arith.constant 32 : index
        %get3A_193 = tpu.vector_load %arg10[%get3A_191, %get3A_192] {strides = array<i32>} : memref<160x128xbf16, #tpu.memory_space<vmem>>, vector<32xbf16>,
        %mul3A_194 = arith.mulf %get3A_190, %get3A_193 : vector<32xbf16>
        %get3A_195 = arith.index_cast %add3A_180 : i32 to index
        %get3A_196 = arith.constant 64 : index
        %get3A_197 = tpu.vector_load %arg9[%get3A_195, %get3A_196] {strides = array<i32>} : memref<160x128xbf16, #tpu.memory_space<vmem>>, vector<32xbf16>,
        %get3A_198 = arith.index_cast %add3A_180 : i32 to index
        %get3A_199 = arith.constant 64 : index
        %get3A_200 = tpu.vector_load %arg10[%get3A_198, %get3A_199] {strides = array<i32>} : memref<160x128xbf16, #tpu.memory_space<vmem>>, vector<32xbf16>,
        %mul3A_201 = arith.mulf %get3A_197, %get3A_200 : vector<32xbf16>
        %get3A_202 = arith.index_cast %add3A_180 : i32 to index
        %get3A_203 = arith.constant 96 : index
        %get3A_204 = tpu.vector_load %arg9[%get3A_202, %get3A_203] {strides = array<i32>} : memref<160x128xbf16, #tpu.memory_space<vmem>>, vector<32xbf16>,
        %get3A_205 = arith.index_cast %add3A_180 : i32 to index
        %get3A_206 = arith.constant 96 : index
        %get3A_207 = tpu.vector_load %arg10[%get3A_205, %get3A_206] {strides = array<i32>} : memref<160x128xbf16, #tpu.memory_space<vmem>>, vector<32xbf16>,
        %mul3A_208 = arith.mulf %get3A_204, %get3A_207 : vector<32xbf16>
        %add3A_209 = arith.addf %mul3A_187, %mul3A_194 : vector<32xbf16>
        %add3A_210 = arith.addf %mul3A_201, %mul3A_208 : vector<32xbf16>
        %add3A_211 = arith.addf %add3A_209, %add3A_210 : vector<32xbf16>
        %unpack3A_212 = tpu.unpack_subelements %add3A_211, 0 {pack_format = #tpu.pack_format<interleaved>} : vector<32xbf16> -> vector<16xf32>
        %unpack3A_213 = tpu.unpack_subelements %add3A_211, 1 {pack_format = #tpu.pack_format<interleaved>} : vector<32xbf16> -> vector<16xf32>
        %mul3A_214 = arith.constant 16 : i32
        %mul3A_215 = vector.broadcast %mul3A_214 : i32 to vector<16xi32>
        %mul3A_216 = arith.muli %iota3A, %mul3A_215 : vector<16xi32>
        %add3A_217 = arith.constant 3 : i32
        %add3A_218 = vector.broadcast %add3A_217 : i32 to vector<16xi32>
        %add3A_219 = arith.addi %mul3A_216, %add3A_218 : vector<16xi32>
        %add3A_220 = arith.addf %unpack3A_212, %unpack3A_213 : vector<16xf32>
        tpu.vector_store_idx %arg11[%add3A_219], %add3A_220 : memref<256xf32, #tpu.memory_space<vmem>>[vector<16xi32>], vector<16xf32>,
        %add3A_221 = arith.addi %mul3A_41, %mul3A_50 : i32
        %add3A_222 = arith.constant 4 : i32
        %add3A_223 = arith.addi %add3A_221, %add3A_222 : i32
        %get3A_224 = arith.index_cast %add3A_223 : i32 to index
        %get3A_225 = arith.constant 0 : index
        %get3A_226 = tpu.vector_load %arg9[%get3A_224, %get3A_225] {strides = array<i32>} : memref<160x128xbf16, #tpu.memory_space<vmem>>, vector<32xbf16>,
        %get3A_227 = arith.index_cast %add3A_223 : i32 to index
        %get3A_228 = arith.constant 0 : index
        %get3A_229 = tpu.vector_load %arg10[%get3A_227, %get3A_228] {strides = array<i32>} : memref<160x128xbf16, #tpu.memory_space<vmem>>, vector<32xbf16>,
        %mul3A_230 = arith.mulf %get3A_226, %get3A_229 : vector<32xbf16>
        %get3A_231 = arith.index_cast %add3A_223 : i32 to index
        %get3A_232 = arith.constant 32 : index
        %get3A_233 = tpu.vector_load %arg9[%get3A_231, %get3A_232] {strides = array<i32>} : memref<160x128xbf16, #tpu.memory_space<vmem>>, vector<32xbf16>,
        %get3A_234 = arith.index_cast %add3A_223 : i32 to index
        %get3A_235 = arith.constant 32 : index
        %get3A_236 = tpu.vector_load %arg10[%get3A_234, %get3A_235] {strides = array<i32>} : memref<160x128xbf16, #tpu.memory_space<vmem>>, vector<32xbf16>,
        %mul3A_237 = arith.mulf %get3A_233, %get3A_236 : vector<32xbf16>
        %get3A_238 = arith.index_cast %add3A_223 : i32 to index
        %get3A_239 = arith.constant 64 : index
        %get3A_240 = tpu.vector_load %arg9[%get3A_238, %get3A_239] {strides = array<i32>} : memref<160x128xbf16, #tpu.memory_space<vmem>>, vector<32xbf16>,
        %get3A_241 = arith.index_cast %add3A_223 : i32 to index
        %get3A_242 = arith.constant 64 : index
        %get3A_243 = tpu.vector_load %arg10[%get3A_241, %get3A_242] {strides = array<i32>} : memref<160x128xbf16, #tpu.memory_space<vmem>>, vector<32xbf16>,
        %mul3A_244 = arith.mulf %get3A_240, %get3A_243 : vector<32xbf16>
        %get3A_245 = arith.index_cast %add3A_223 : i32 to index
        %get3A_246 = arith.constant 96 : index
        %get3A_247 = tpu.vector_load %arg9[%get3A_245, %get3A_246] {strides = array<i32>} : memref<160x128xbf16, #tpu.memory_space<vmem>>, vector<32xbf16>,
        %get3A_248 = arith.index_cast %add3A_223 : i32 to index
        %get3A_249 = arith.constant 96 : index
        %get3A_250 = tpu.vector_load %arg10[%get3A_248, %get3A_249] {strides = array<i32>} : memref<160x128xbf16, #tpu.memory_space<vmem>>, vector<32xbf16>,
        %mul3A_251 = arith.mulf %get3A_247, %get3A_250 : vector<32xbf16>
        %add3A_252 = arith.addf %mul3A_230, %mul3A_237 : vector<32xbf16>
        %add3A_253 = arith.addf %mul3A_244, %mul3A_251 : vector<32xbf16>
        %add3A_254 = arith.addf %add3A_252, %add3A_253 : vector<32xbf16>
        %unpack3A_255 = tpu.unpack_subelements %add3A_254, 0 {pack_format = #tpu.pack_format<interleaved>} : vector<32xbf16> -> vector<16xf32>
        %unpack3A_256 = tpu.unpack_subelements %add3A_254, 1 {pack_format = #tpu.pack_format<interleaved>} : vector<32xbf16> -> vector<16xf32>
        %mul3A_257 = arith.constant 16 : i32
        %mul3A_258 = vector.broadcast %mul3A_257 : i32 to vector<16xi32>
        %mul3A_259 = arith.muli %iota3A, %mul3A_258 : vector<16xi32>
        %add3A_260 = arith.constant 4 : i32
        %add3A_261 = vector.broadcast %add3A_260 : i32 to vector<16xi32>
        %add3A_262 = arith.addi %mul3A_259, %add3A_261 : vector<16xi32>
        %add3A_263 = arith.addf %unpack3A_255, %unpack3A_256 : vector<16xf32>
        tpu.vector_store_idx %arg11[%add3A_262], %add3A_263 : memref<256xf32, #tpu.memory_space<vmem>>[vector<16xi32>], vector<16xf32>,
        %add3A_264 = arith.addi %mul3A_41, %mul3A_50 : i32
        %add3A_265 = arith.constant 5 : i32
        %add3A_266 = arith.addi %add3A_264, %add3A_265 : i32
        %get3A_267 = arith.index_cast %add3A_266 : i32 to index
        %get3A_268 = arith.constant 0 : index
        %get3A_269 = tpu.vector_load %arg9[%get3A_267, %get3A_268] {strides = array<i32>} : memref<160x128xbf16, #tpu.memory_space<vmem>>, vector<32xbf16>,
        %get3A_270 = arith.index_cast %add3A_266 : i32 to index
        %get3A_271 = arith.constant 0 : index
        %get3A_272 = tpu.vector_load %arg10[%get3A_270, %get3A_271] {strides = array<i32>} : memref<160x128xbf16, #tpu.memory_space<vmem>>, vector<32xbf16>,
        %mul3A_273 = arith.mulf %get3A_269, %get3A_272 : vector<32xbf16>
        %get3A_274 = arith.index_cast %add3A_266 : i32 to index
        %get3A_275 = arith.constant 32 : index
        %get3A_276 = tpu.vector_load %arg9[%get3A_274, %get3A_275] {strides = array<i32>} : memref<160x128xbf16, #tpu.memory_space<vmem>>, vector<32xbf16>,
        %get3A_277 = arith.index_cast %add3A_266 : i32 to index
        %get3A_278 = arith.constant 32 : index
        %get3A_279 = tpu.vector_load %arg10[%get3A_277, %get3A_278] {strides = array<i32>} : memref<160x128xbf16, #tpu.memory_space<vmem>>, vector<32xbf16>,
        %mul3A_280 = arith.mulf %get3A_276, %get3A_279 : vector<32xbf16>
        %get3A_281 = arith.index_cast %add3A_266 : i32 to index
        %get3A_282 = arith.constant 64 : index
        %get3A_283 = tpu.vector_load %arg9[%get3A_281, %get3A_282] {strides = array<i32>} : memref<160x128xbf16, #tpu.memory_space<vmem>>, vector<32xbf16>,
        %get3A_284 = arith.index_cast %add3A_266 : i32 to index
        %get3A_285 = arith.constant 64 : index
        %get3A_286 = tpu.vector_load %arg10[%get3A_284, %get3A_285] {strides = array<i32>} : memref<160x128xbf16, #tpu.memory_space<vmem>>, vector<32xbf16>,
        %mul3A_287 = arith.mulf %get3A_283, %get3A_286 : vector<32xbf16>
        %get3A_288 = arith.index_cast %add3A_266 : i32 to index
        %get3A_289 = arith.constant 96 : index
        %get3A_290 = tpu.vector_load %arg9[%get3A_288, %get3A_289] {strides = array<i32>} : memref<160x128xbf16, #tpu.memory_space<vmem>>, vector<32xbf16>,
        %get3A_291 = arith.index_cast %add3A_266 : i32 to index
        %get3A_292 = arith.constant 96 : index
        %get3A_293 = tpu.vector_load %arg10[%get3A_291, %get3A_292] {strides = array<i32>} : memref<160x128xbf16, #tpu.memory_space<vmem>>, vector<32xbf16>,
        %mul3A_294 = arith.mulf %get3A_290, %get3A_293 : vector<32xbf16>
        %add3A_295 = arith.addf %mul3A_273, %mul3A_280 : vector<32xbf16>
        %add3A_296 = arith.addf %mul3A_287, %mul3A_294 : vector<32xbf16>
        %add3A_297 = arith.addf %add3A_295, %add3A_296 : vector<32xbf16>
        %unpack3A_298 = tpu.unpack_subelements %add3A_297, 0 {pack_format = #tpu.pack_format<interleaved>} : vector<32xbf16> -> vector<16xf32>
        %unpack3A_299 = tpu.unpack_subelements %add3A_297, 1 {pack_format = #tpu.pack_format<interleaved>} : vector<32xbf16> -> vector<16xf32>
        %mul3A_300 = arith.constant 16 : i32
        %mul3A_301 = vector.broadcast %mul3A_300 : i32 to vector<16xi32>
        %mul3A_302 = arith.muli %iota3A, %mul3A_301 : vector<16xi32>
        %add3A_303 = arith.constant 5 : i32
        %add3A_304 = vector.broadcast %add3A_303 : i32 to vector<16xi32>
        %add3A_305 = arith.addi %mul3A_302, %add3A_304 : vector<16xi32>
        %add3A_306 = arith.addf %unpack3A_298, %unpack3A_299 : vector<16xf32>
        tpu.vector_store_idx %arg11[%add3A_305], %add3A_306 : memref<256xf32, #tpu.memory_space<vmem>>[vector<16xi32>], vector<16xf32>,
        %add3A_307 = arith.addi %mul3A_41, %mul3A_50 : i32
        %add3A_308 = arith.constant 6 : i32
        %add3A_309 = arith.addi %add3A_307, %add3A_308 : i32
        %get3A_310 = arith.index_cast %add3A_309 : i32 to index
        %get3A_311 = arith.constant 0 : index
        %get3A_312 = tpu.vector_load %arg9[%get3A_310, %get3A_311] {strides = array<i32>} : memref<160x128xbf16, #tpu.memory_space<vmem>>, vector<32xbf16>,
        %get3A_313 = arith.index_cast %add3A_309 : i32 to index
        %get3A_314 = arith.constant 0 : index
        %get3A_315 = tpu.vector_load %arg10[%get3A_313, %get3A_314] {strides = array<i32>} : memref<160x128xbf16, #tpu.memory_space<vmem>>, vector<32xbf16>,
        %mul3A_316 = arith.mulf %get3A_312, %get3A_315 : vector<32xbf16>
        %get3A_317 = arith.index_cast %add3A_309 : i32 to index
        %get3A_318 = arith.constant 32 : index
        %get3A_319 = tpu.vector_load %arg9[%get3A_317, %get3A_318] {strides = array<i32>} : memref<160x128xbf16, #tpu.memory_space<vmem>>, vector<32xbf16>,
        %get3A_320 = arith.index_cast %add3A_309 : i32 to index
        %get3A_321 = arith.constant 32 : index
        %get3A_322 = tpu.vector_load %arg10[%get3A_320, %get3A_321] {strides = array<i32>} : memref<160x128xbf16, #tpu.memory_space<vmem>>, vector<32xbf16>,
        %mul3A_323 = arith.mulf %get3A_319, %get3A_322 : vector<32xbf16>
        %get3A_324 = arith.index_cast %add3A_309 : i32 to index
        %get3A_325 = arith.constant 64 : index
        %get3A_326 = tpu.vector_load %arg9[%get3A_324, %get3A_325] {strides = array<i32>} : memref<160x128xbf16, #tpu.memory_space<vmem>>, vector<32xbf16>,
        %get3A_327 = arith.index_cast %add3A_309 : i32 to index
        %get3A_328 = arith.constant 64 : index
        %get3A_329 = tpu.vector_load %arg10[%get3A_327, %get3A_328] {strides = array<i32>} : memref<160x128xbf16, #tpu.memory_space<vmem>>, vector<32xbf16>,
        %mul3A_330 = arith.mulf %get3A_326, %get3A_329 : vector<32xbf16>
        %get3A_331 = arith.index_cast %add3A_309 : i32 to index
        %get3A_332 = arith.constant 96 : index
        %get3A_333 = tpu.vector_load %arg9[%get3A_331, %get3A_332] {strides = array<i32>} : memref<160x128xbf16, #tpu.memory_space<vmem>>, vector<32xbf16>,
        %get3A_334 = arith.index_cast %add3A_309 : i32 to index
        %get3A_335 = arith.constant 96 : index
        %get3A_336 = tpu.vector_load %arg10[%get3A_334, %get3A_335] {strides = array<i32>} : memref<160x128xbf16, #tpu.memory_space<vmem>>, vector<32xbf16>,
        %mul3A_337 = arith.mulf %get3A_333, %get3A_336 : vector<32xbf16>
        %add3A_338 = arith.addf %mul3A_316, %mul3A_323 : vector<32xbf16>
        %add3A_339 = arith.addf %mul3A_330, %mul3A_337 : vector<32xbf16>
        %add3A_340 = arith.addf %add3A_338, %add3A_339 : vector<32xbf16>
        %unpack3A_341 = tpu.unpack_subelements %add3A_340, 0 {pack_format = #tpu.pack_format<interleaved>} : vector<32xbf16> -> vector<16xf32>
        %unpack3A_342 = tpu.unpack_subelements %add3A_340, 1 {pack_format = #tpu.pack_format<interleaved>} : vector<32xbf16> -> vector<16xf32>
        %mul3A_343 = arith.constant 16 : i32
        %mul3A_344 = vector.broadcast %mul3A_343 : i32 to vector<16xi32>
        %mul3A_345 = arith.muli %iota3A, %mul3A_344 : vector<16xi32>
        %add3A_346 = arith.constant 6 : i32
        %add3A_347 = vector.broadcast %add3A_346 : i32 to vector<16xi32>
        %add3A_348 = arith.addi %mul3A_345, %add3A_347 : vector<16xi32>
        %add3A_349 = arith.addf %unpack3A_341, %unpack3A_342 : vector<16xf32>
        tpu.vector_store_idx %arg11[%add3A_348], %add3A_349 : memref<256xf32, #tpu.memory_space<vmem>>[vector<16xi32>], vector<16xf32>,
        %add3A_350 = arith.addi %mul3A_41, %mul3A_50 : i32
        %add3A_351 = arith.constant 7 : i32
        %add3A_352 = arith.addi %add3A_350, %add3A_351 : i32
        %get3A_353 = arith.index_cast %add3A_352 : i32 to index
        %get3A_354 = arith.constant 0 : index
        %get3A_355 = tpu.vector_load %arg9[%get3A_353, %get3A_354] {strides = array<i32>} : memref<160x128xbf16, #tpu.memory_space<vmem>>, vector<32xbf16>,
        %get3A_356 = arith.index_cast %add3A_352 : i32 to index
        %get3A_357 = arith.constant 0 : index
        %get3A_358 = tpu.vector_load %arg10[%get3A_356, %get3A_357] {strides = array<i32>} : memref<160x128xbf16, #tpu.memory_space<vmem>>, vector<32xbf16>,
        %mul3A_359 = arith.mulf %get3A_355, %get3A_358 : vector<32xbf16>
        %get3A_360 = arith.index_cast %add3A_352 : i32 to index
        %get3A_361 = arith.constant 32 : index
        %get3A_362 = tpu.vector_load %arg9[%get3A_360, %get3A_361] {strides = array<i32>} : memref<160x128xbf16, #tpu.memory_space<vmem>>, vector<32xbf16>,
        %get3A_363 = arith.index_cast %add3A_352 : i32 to index
        %get3A_364 = arith.constant 32 : index
        %get3A_365 = tpu.vector_load %arg10[%get3A_363, %get3A_364] {strides = array<i32>} : memref<160x128xbf16, #tpu.memory_space<vmem>>, vector<32xbf16>,
        %mul3A_366 = arith.mulf %get3A_362, %get3A_365 : vector<32xbf16>
        %get3A_367 = arith.index_cast %add3A_352 : i32 to index
        %get3A_368 = arith.constant 64 : index
        %get3A_369 = tpu.vector_load %arg9[%get3A_367, %get3A_368] {strides = array<i32>} : memref<160x128xbf16, #tpu.memory_space<vmem>>, vector<32xbf16>,
        %get3A_370 = arith.index_cast %add3A_352 : i32 to index
        %get3A_371 = arith.constant 64 : index
        %get3A_372 = tpu.vector_load %arg10[%get3A_370, %get3A_371] {strides = array<i32>} : memref<160x128xbf16, #tpu.memory_space<vmem>>, vector<32xbf16>,
        %mul3A_373 = arith.mulf %get3A_369, %get3A_372 : vector<32xbf16>
        %get3A_374 = arith.index_cast %add3A_352 : i32 to index
        %get3A_375 = arith.constant 96 : index
        %get3A_376 = tpu.vector_load %arg9[%get3A_374, %get3A_375] {strides = array<i32>} : memref<160x128xbf16, #tpu.memory_space<vmem>>, vector<32xbf16>,
        %get3A_377 = arith.index_cast %add3A_352 : i32 to index
        %get3A_378 = arith.constant 96 : index
        %get3A_379 = tpu.vector_load %arg10[%get3A_377, %get3A_378] {strides = array<i32>} : memref<160x128xbf16, #tpu.memory_space<vmem>>, vector<32xbf16>,
        %mul3A_380 = arith.mulf %get3A_376, %get3A_379 : vector<32xbf16>
        %add3A_381 = arith.addf %mul3A_359, %mul3A_366 : vector<32xbf16>
        %add3A_382 = arith.addf %mul3A_373, %mul3A_380 : vector<32xbf16>
        %add3A_383 = arith.addf %add3A_381, %add3A_382 : vector<32xbf16>
        %unpack3A_384 = tpu.unpack_subelements %add3A_383, 0 {pack_format = #tpu.pack_format<interleaved>} : vector<32xbf16> -> vector<16xf32>
        %unpack3A_385 = tpu.unpack_subelements %add3A_383, 1 {pack_format = #tpu.pack_format<interleaved>} : vector<32xbf16> -> vector<16xf32>
        %mul3A_386 = arith.constant 16 : i32
        %mul3A_387 = vector.broadcast %mul3A_386 : i32 to vector<16xi32>
        %mul3A_388 = arith.muli %iota3A, %mul3A_387 : vector<16xi32>
        %add3A_389 = arith.constant 7 : i32
        %add3A_390 = vector.broadcast %add3A_389 : i32 to vector<16xi32>
        %add3A_391 = arith.addi %mul3A_388, %add3A_390 : vector<16xi32>
        %add3A_392 = arith.addf %unpack3A_384, %unpack3A_385 : vector<16xf32>
        tpu.vector_store_idx %arg11[%add3A_391], %add3A_392 : memref<256xf32, #tpu.memory_space<vmem>>[vector<16xi32>], vector<16xf32>,
        %add3A_393 = arith.addi %mul3A_41, %mul3A_50 : i32
        %add3A_394 = arith.constant 8 : i32
        %add3A_395 = arith.addi %add3A_393, %add3A_394 : i32
        %get3A_396 = arith.index_cast %add3A_395 : i32 to index
        %get3A_397 = arith.constant 0 : index
        %get3A_398 = tpu.vector_load %arg9[%get3A_396, %get3A_397] {strides = array<i32>} : memref<160x128xbf16, #tpu.memory_space<vmem>>, vector<32xbf16>,
        %get3A_399 = arith.index_cast %add3A_395 : i32 to index
        %get3A_400 = arith.constant 0 : index
        %get3A_401 = tpu.vector_load %arg10[%get3A_399, %get3A_400] {strides = array<i32>} : memref<160x128xbf16, #tpu.memory_space<vmem>>, vector<32xbf16>,
        %mul3A_402 = arith.mulf %get3A_398, %get3A_401 : vector<32xbf16>
        %get3A_403 = arith.index_cast %add3A_395 : i32 to index
        %get3A_404 = arith.constant 32 : index
        %get3A_405 = tpu.vector_load %arg9[%get3A_403, %get3A_404] {strides = array<i32>} : memref<160x128xbf16, #tpu.memory_space<vmem>>, vector<32xbf16>,
        %get3A_406 = arith.index_cast %add3A_395 : i32 to index
        %get3A_407 = arith.constant 32 : index
        %get3A_408 = tpu.vector_load %arg10[%get3A_406, %get3A_407] {strides = array<i32>} : memref<160x128xbf16, #tpu.memory_space<vmem>>, vector<32xbf16>,
        %mul3A_409 = arith.mulf %get3A_405, %get3A_408 : vector<32xbf16>
        %get3A_410 = arith.index_cast %add3A_395 : i32 to index
        %get3A_411 = arith.constant 64 : index
        %get3A_412 = tpu.vector_load %arg9[%get3A_410, %get3A_411] {strides = array<i32>} : memref<160x128xbf16, #tpu.memory_space<vmem>>, vector<32xbf16>,
        %get3A_413 = arith.index_cast %add3A_395 : i32 to index
        %get3A_414 = arith.constant 64 : index
        %get3A_415 = tpu.vector_load %arg10[%get3A_413, %get3A_414] {strides = array<i32>} : memref<160x128xbf16, #tpu.memory_space<vmem>>, vector<32xbf16>,
        %mul3A_416 = arith.mulf %get3A_412, %get3A_415 : vector<32xbf16>
        %get3A_417 = arith.index_cast %add3A_395 : i32 to index
        %get3A_418 = arith.constant 96 : index
        %get3A_419 = tpu.vector_load %arg9[%get3A_417, %get3A_418] {strides = array<i32>} : memref<160x128xbf16, #tpu.memory_space<vmem>>, vector<32xbf16>,
        %get3A_420 = arith.index_cast %add3A_395 : i32 to index
        %get3A_421 = arith.constant 96 : index
        %get3A_422 = tpu.vector_load %arg10[%get3A_420, %get3A_421] {strides = array<i32>} : memref<160x128xbf16, #tpu.memory_space<vmem>>, vector<32xbf16>,
        %mul3A_423 = arith.mulf %get3A_419, %get3A_422 : vector<32xbf16>
        %add3A_424 = arith.addf %mul3A_402, %mul3A_409 : vector<32xbf16>
        %add3A_425 = arith.addf %mul3A_416, %mul3A_423 : vector<32xbf16>
        %add3A_426 = arith.addf %add3A_424, %add3A_425 : vector<32xbf16>
        %unpack3A_427 = tpu.unpack_subelements %add3A_426, 0 {pack_format = #tpu.pack_format<interleaved>} : vector<32xbf16> -> vector<16xf32>
        %unpack3A_428 = tpu.unpack_subelements %add3A_426, 1 {pack_format = #tpu.pack_format<interleaved>} : vector<32xbf16> -> vector<16xf32>
        %mul3A_429 = arith.constant 16 : i32
        %mul3A_430 = vector.broadcast %mul3A_429 : i32 to vector<16xi32>
        %mul3A_431 = arith.muli %iota3A, %mul3A_430 : vector<16xi32>
        %add3A_432 = arith.constant 8 : i32
        %add3A_433 = vector.broadcast %add3A_432 : i32 to vector<16xi32>
        %add3A_434 = arith.addi %mul3A_431, %add3A_433 : vector<16xi32>
        %add3A_435 = arith.addf %unpack3A_427, %unpack3A_428 : vector<16xf32>
        tpu.vector_store_idx %arg11[%add3A_434], %add3A_435 : memref<256xf32, #tpu.memory_space<vmem>>[vector<16xi32>], vector<16xf32>,
        %add3A_436 = arith.addi %mul3A_41, %mul3A_50 : i32
        %add3A_437 = arith.constant 9 : i32
        %add3A_438 = arith.addi %add3A_436, %add3A_437 : i32
        %get3A_439 = arith.index_cast %add3A_438 : i32 to index
        %get3A_440 = arith.constant 0 : index
        %get3A_441 = tpu.vector_load %arg9[%get3A_439, %get3A_440] {strides = array<i32>} : memref<160x128xbf16, #tpu.memory_space<vmem>>, vector<32xbf16>,
        %get3A_442 = arith.index_cast %add3A_438 : i32 to index
        %get3A_443 = arith.constant 0 : index
        %get3A_444 = tpu.vector_load %arg10[%get3A_442, %get3A_443] {strides = array<i32>} : memref<160x128xbf16, #tpu.memory_space<vmem>>, vector<32xbf16>,
        %mul3A_445 = arith.mulf %get3A_441, %get3A_444 : vector<32xbf16>
        %get3A_446 = arith.index_cast %add3A_438 : i32 to index
        %get3A_447 = arith.constant 32 : index
        %get3A_448 = tpu.vector_load %arg9[%get3A_446, %get3A_447] {strides = array<i32>} : memref<160x128xbf16, #tpu.memory_space<vmem>>, vector<32xbf16>,
        %get3A_449 = arith.index_cast %add3A_438 : i32 to index
        %get3A_450 = arith.constant 32 : index
        %get3A_451 = tpu.vector_load %arg10[%get3A_449, %get3A_450] {strides = array<i32>} : memref<160x128xbf16, #tpu.memory_space<vmem>>, vector<32xbf16>,
        %mul3A_452 = arith.mulf %get3A_448, %get3A_451 : vector<32xbf16>
        %get3A_453 = arith.index_cast %add3A_438 : i32 to index
        %get3A_454 = arith.constant 64 : index
        %get3A_455 = tpu.vector_load %arg9[%get3A_453, %get3A_454] {strides = array<i32>} : memref<160x128xbf16, #tpu.memory_space<vmem>>, vector<32xbf16>,
        %get3A_456 = arith.index_cast %add3A_438 : i32 to index
        %get3A_457 = arith.constant 64 : index
        %get3A_458 = tpu.vector_load %arg10[%get3A_456, %get3A_457] {strides = array<i32>} : memref<160x128xbf16, #tpu.memory_space<vmem>>, vector<32xbf16>,
        %mul3A_459 = arith.mulf %get3A_455, %get3A_458 : vector<32xbf16>
        %get3A_460 = arith.index_cast %add3A_438 : i32 to index
        %get3A_461 = arith.constant 96 : index
        %get3A_462 = tpu.vector_load %arg9[%get3A_460, %get3A_461] {strides = array<i32>} : memref<160x128xbf16, #tpu.memory_space<vmem>>, vector<32xbf16>,
        %get3A_463 = arith.index_cast %add3A_438 : i32 to index
        %get3A_464 = arith.constant 96 : index
        %get3A_465 = tpu.vector_load %arg10[%get3A_463, %get3A_464] {strides = array<i32>} : memref<160x128xbf16, #tpu.memory_space<vmem>>, vector<32xbf16>,
        %mul3A_466 = arith.mulf %get3A_462, %get3A_465 : vector<32xbf16>
        %add3A_467 = arith.addf %mul3A_445, %mul3A_452 : vector<32xbf16>
        %add3A_468 = arith.addf %mul3A_459, %mul3A_466 : vector<32xbf16>
        %add3A_469 = arith.addf %add3A_467, %add3A_468 : vector<32xbf16>
        %unpack3A_470 = tpu.unpack_subelements %add3A_469, 0 {pack_format = #tpu.pack_format<interleaved>} : vector<32xbf16> -> vector<16xf32>
        %unpack3A_471 = tpu.unpack_subelements %add3A_469, 1 {pack_format = #tpu.pack_format<interleaved>} : vector<32xbf16> -> vector<16xf32>
        %mul3A_472 = arith.constant 16 : i32
        %mul3A_473 = vector.broadcast %mul3A_472 : i32 to vector<16xi32>
        %mul3A_474 = arith.muli %iota3A, %mul3A_473 : vector<16xi32>
        %add3A_475 = arith.constant 9 : i32
        %add3A_476 = vector.broadcast %add3A_475 : i32 to vector<16xi32>
        %add3A_477 = arith.addi %mul3A_474, %add3A_476 : vector<16xi32>
        %add3A_478 = arith.addf %unpack3A_470, %unpack3A_471 : vector<16xf32>
        tpu.vector_store_idx %arg11[%add3A_477], %add3A_478 : memref<256xf32, #tpu.memory_space<vmem>>[vector<16xi32>], vector<16xf32>,
        %add3A_479 = arith.addi %mul3A_41, %mul3A_50 : i32
        %add3A_480 = arith.constant 10 : i32
        %add3A_481 = arith.addi %add3A_479, %add3A_480 : i32
        %get3A_482 = arith.index_cast %add3A_481 : i32 to index
        %get3A_483 = arith.constant 0 : index
        %get3A_484 = tpu.vector_load %arg9[%get3A_482, %get3A_483] {strides = array<i32>} : memref<160x128xbf16, #tpu.memory_space<vmem>>, vector<32xbf16>,
        %get3A_485 = arith.index_cast %add3A_481 : i32 to index
        %get3A_486 = arith.constant 0 : index
        %get3A_487 = tpu.vector_load %arg10[%get3A_485, %get3A_486] {strides = array<i32>} : memref<160x128xbf16, #tpu.memory_space<vmem>>, vector<32xbf16>,
        %mul3A_488 = arith.mulf %get3A_484, %get3A_487 : vector<32xbf16>
        %get3A_489 = arith.index_cast %add3A_481 : i32 to index
        %get3A_490 = arith.constant 32 : index
        %get3A_491 = tpu.vector_load %arg9[%get3A_489, %get3A_490] {strides = array<i32>} : memref<160x128xbf16, #tpu.memory_space<vmem>>, vector<32xbf16>,
        %get3A_492 = arith.index_cast %add3A_481 : i32 to index
        %get3A_493 = arith.constant 32 : index
        %get3A_494 = tpu.vector_load %arg10[%get3A_492, %get3A_493] {strides = array<i32>} : memref<160x128xbf16, #tpu.memory_space<vmem>>, vector<32xbf16>,
        %mul3A_495 = arith.mulf %get3A_491, %get3A_494 : vector<32xbf16>
        %get3A_496 = arith.index_cast %add3A_481 : i32 to index
        %get3A_497 = arith.constant 64 : index
        %get3A_498 = tpu.vector_load %arg9[%get3A_496, %get3A_497] {strides = array<i32>} : memref<160x128xbf16, #tpu.memory_space<vmem>>, vector<32xbf16>,
        %get3A_499 = arith.index_cast %add3A_481 : i32 to index
        %get3A_500 = arith.constant 64 : index
        %get3A_501 = tpu.vector_load %arg10[%get3A_499, %get3A_500] {strides = array<i32>} : memref<160x128xbf16, #tpu.memory_space<vmem>>, vector<32xbf16>,
        %mul3A_502 = arith.mulf %get3A_498, %get3A_501 : vector<32xbf16>
        %get3A_503 = arith.index_cast %add3A_481 : i32 to index
        %get3A_504 = arith.constant 96 : index
        %get3A_505 = tpu.vector_load %arg9[%get3A_503, %get3A_504] {strides = array<i32>} : memref<160x128xbf16, #tpu.memory_space<vmem>>, vector<32xbf16>,
        %get3A_506 = arith.index_cast %add3A_481 : i32 to index
        %get3A_507 = arith.constant 96 : index
        %get3A_508 = tpu.vector_load %arg10[%get3A_506, %get3A_507] {strides = array<i32>} : memref<160x128xbf16, #tpu.memory_space<vmem>>, vector<32xbf16>,
        %mul3A_509 = arith.mulf %get3A_505, %get3A_508 : vector<32xbf16>
        %add3A_510 = arith.addf %mul3A_488, %mul3A_495 : vector<32xbf16>
        %add3A_511 = arith.addf %mul3A_502, %mul3A_509 : vector<32xbf16>
        %add3A_512 = arith.addf %add3A_510, %add3A_511 : vector<32xbf16>
        %unpack3A_513 = tpu.unpack_subelements %add3A_512, 0 {pack_format = #tpu.pack_format<interleaved>} : vector<32xbf16> -> vector<16xf32>
        %unpack3A_514 = tpu.unpack_subelements %add3A_512, 1 {pack_format = #tpu.pack_format<interleaved>} : vector<32xbf16> -> vector<16xf32>
        %mul3A_515 = arith.constant 16 : i32
        %mul3A_516 = vector.broadcast %mul3A_515 : i32 to vector<16xi32>
        %mul3A_517 = arith.muli %iota3A, %mul3A_516 : vector<16xi32>
        %add3A_518 = arith.constant 10 : i32
        %add3A_519 = vector.broadcast %add3A_518 : i32 to vector<16xi32>
        %add3A_520 = arith.addi %mul3A_517, %add3A_519 : vector<16xi32>
        %add3A_521 = arith.addf %unpack3A_513, %unpack3A_514 : vector<16xf32>
        tpu.vector_store_idx %arg11[%add3A_520], %add3A_521 : memref<256xf32, #tpu.memory_space<vmem>>[vector<16xi32>], vector<16xf32>,
        %add3A_522 = arith.addi %mul3A_41, %mul3A_50 : i32
        %add3A_523 = arith.constant 11 : i32
        %add3A_524 = arith.addi %add3A_522, %add3A_523 : i32
        %get3A_525 = arith.index_cast %add3A_524 : i32 to index
        %get3A_526 = arith.constant 0 : index
        %get3A_527 = tpu.vector_load %arg9[%get3A_525, %get3A_526] {strides = array<i32>} : memref<160x128xbf16, #tpu.memory_space<vmem>>, vector<32xbf16>,
        %get3A_528 = arith.index_cast %add3A_524 : i32 to index
        %get3A_529 = arith.constant 0 : index
        %get3A_530 = tpu.vector_load %arg10[%get3A_528, %get3A_529] {strides = array<i32>} : memref<160x128xbf16, #tpu.memory_space<vmem>>, vector<32xbf16>,
        %mul3A_531 = arith.mulf %get3A_527, %get3A_530 : vector<32xbf16>
        %get3A_532 = arith.index_cast %add3A_524 : i32 to index
        %get3A_533 = arith.constant 32 : index
        %get3A_534 = tpu.vector_load %arg9[%get3A_532, %get3A_533] {strides = array<i32>} : memref<160x128xbf16, #tpu.memory_space<vmem>>, vector<32xbf16>,
        %get3A_535 = arith.index_cast %add3A_524 : i32 to index
        %get3A_536 = arith.constant 32 : index
        %get3A_537 = tpu.vector_load %arg10[%get3A_535, %get3A_536] {strides = array<i32>} : memref<160x128xbf16, #tpu.memory_space<vmem>>, vector<32xbf16>,
        %mul3A_538 = arith.mulf %get3A_534, %get3A_537 : vector<32xbf16>
        %get3A_539 = arith.index_cast %add3A_524 : i32 to index
        %get3A_540 = arith.constant 64 : index
        %get3A_541 = tpu.vector_load %arg9[%get3A_539, %get3A_540] {strides = array<i32>} : memref<160x128xbf16, #tpu.memory_space<vmem>>, vector<32xbf16>,
        %get3A_542 = arith.index_cast %add3A_524 : i32 to index
        %get3A_543 = arith.constant 64 : index
        %get3A_544 = tpu.vector_load %arg10[%get3A_542, %get3A_543] {strides = array<i32>} : memref<160x128xbf16, #tpu.memory_space<vmem>>, vector<32xbf16>,
        %mul3A_545 = arith.mulf %get3A_541, %get3A_544 : vector<32xbf16>
        %get3A_546 = arith.index_cast %add3A_524 : i32 to index
        %get3A_547 = arith.constant 96 : index
        %get3A_548 = tpu.vector_load %arg9[%get3A_546, %get3A_547] {strides = array<i32>} : memref<160x128xbf16, #tpu.memory_space<vmem>>, vector<32xbf16>,
        %get3A_549 = arith.index_cast %add3A_524 : i32 to index
        %get3A_550 = arith.constant 96 : index
        %get3A_551 = tpu.vector_load %arg10[%get3A_549, %get3A_550] {strides = array<i32>} : memref<160x128xbf16, #tpu.memory_space<vmem>>, vector<32xbf16>,
        %mul3A_552 = arith.mulf %get3A_548, %get3A_551 : vector<32xbf16>
        %add3A_553 = arith.addf %mul3A_531, %mul3A_538 : vector<32xbf16>
        %add3A_554 = arith.addf %mul3A_545, %mul3A_552 : vector<32xbf16>
        %add3A_555 = arith.addf %add3A_553, %add3A_554 : vector<32xbf16>
        %unpack3A_556 = tpu.unpack_subelements %add3A_555, 0 {pack_format = #tpu.pack_format<interleaved>} : vector<32xbf16> -> vector<16xf32>
        %unpack3A_557 = tpu.unpack_subelements %add3A_555, 1 {pack_format = #tpu.pack_format<interleaved>} : vector<32xbf16> -> vector<16xf32>
        %mul3A_558 = arith.constant 16 : i32
        %mul3A_559 = vector.broadcast %mul3A_558 : i32 to vector<16xi32>
        %mul3A_560 = arith.muli %iota3A, %mul3A_559 : vector<16xi32>
        %add3A_561 = arith.constant 11 : i32
        %add3A_562 = vector.broadcast %add3A_561 : i32 to vector<16xi32>
        %add3A_563 = arith.addi %mul3A_560, %add3A_562 : vector<16xi32>
        %add3A_564 = arith.addf %unpack3A_556, %unpack3A_557 : vector<16xf32>
        tpu.vector_store_idx %arg11[%add3A_563], %add3A_564 : memref<256xf32, #tpu.memory_space<vmem>>[vector<16xi32>], vector<16xf32>,
        %add3A_565 = arith.addi %mul3A_41, %mul3A_50 : i32
        %add3A_566 = arith.constant 12 : i32
        %add3A_567 = arith.addi %add3A_565, %add3A_566 : i32
        %get3A_568 = arith.index_cast %add3A_567 : i32 to index
        %get3A_569 = arith.constant 0 : index
        %get3A_570 = tpu.vector_load %arg9[%get3A_568, %get3A_569] {strides = array<i32>} : memref<160x128xbf16, #tpu.memory_space<vmem>>, vector<32xbf16>,
        %get3A_571 = arith.index_cast %add3A_567 : i32 to index
        %get3A_572 = arith.constant 0 : index
        %get3A_573 = tpu.vector_load %arg10[%get3A_571, %get3A_572] {strides = array<i32>} : memref<160x128xbf16, #tpu.memory_space<vmem>>, vector<32xbf16>,
        %mul3A_574 = arith.mulf %get3A_570, %get3A_573 : vector<32xbf16>
        %get3A_575 = arith.index_cast %add3A_567 : i32 to index
        %get3A_576 = arith.constant 32 : index
        %get3A_577 = tpu.vector_load %arg9[%get3A_575, %get3A_576] {strides = array<i32>} : memref<160x128xbf16, #tpu.memory_space<vmem>>, vector<32xbf16>,
        %get3A_578 = arith.index_cast %add3A_567 : i32 to index
        %get3A_579 = arith.constant 32 : index
        %get3A_580 = tpu.vector_load %arg10[%get3A_578, %get3A_579] {strides = array<i32>} : memref<160x128xbf16, #tpu.memory_space<vmem>>, vector<32xbf16>,
        %mul3A_581 = arith.mulf %get3A_577, %get3A_580 : vector<32xbf16>
        %get3A_582 = arith.index_cast %add3A_567 : i32 to index
        %get3A_583 = arith.constant 64 : index
        %get3A_584 = tpu.vector_load %arg9[%get3A_582, %get3A_583] {strides = array<i32>} : memref<160x128xbf16, #tpu.memory_space<vmem>>, vector<32xbf16>,
        %get3A_585 = arith.index_cast %add3A_567 : i32 to index
        %get3A_586 = arith.constant 64 : index
        %get3A_587 = tpu.vector_load %arg10[%get3A_585, %get3A_586] {strides = array<i32>} : memref<160x128xbf16, #tpu.memory_space<vmem>>, vector<32xbf16>,
        %mul3A_588 = arith.mulf %get3A_584, %get3A_587 : vector<32xbf16>
        %get3A_589 = arith.index_cast %add3A_567 : i32 to index
        %get3A_590 = arith.constant 96 : index
        %get3A_591 = tpu.vector_load %arg9[%get3A_589, %get3A_590] {strides = array<i32>} : memref<160x128xbf16, #tpu.memory_space<vmem>>, vector<32xbf16>,
        %get3A_592 = arith.index_cast %add3A_567 : i32 to index
        %get3A_593 = arith.constant 96 : index
        %get3A_594 = tpu.vector_load %arg10[%get3A_592, %get3A_593] {strides = array<i32>} : memref<160x128xbf16, #tpu.memory_space<vmem>>, vector<32xbf16>,
        %mul3A_595 = arith.mulf %get3A_591, %get3A_594 : vector<32xbf16>
        %add3A_596 = arith.addf %mul3A_574, %mul3A_581 : vector<32xbf16>
        %add3A_597 = arith.addf %mul3A_588, %mul3A_595 : vector<32xbf16>
        %add3A_598 = arith.addf %add3A_596, %add3A_597 : vector<32xbf16>
        %unpack3A_599 = tpu.unpack_subelements %add3A_598, 0 {pack_format = #tpu.pack_format<interleaved>} : vector<32xbf16> -> vector<16xf32>
        %unpack3A_600 = tpu.unpack_subelements %add3A_598, 1 {pack_format = #tpu.pack_format<interleaved>} : vector<32xbf16> -> vector<16xf32>
        %mul3A_601 = arith.constant 16 : i32
        %mul3A_602 = vector.broadcast %mul3A_601 : i32 to vector<16xi32>
        %mul3A_603 = arith.muli %iota3A, %mul3A_602 : vector<16xi32>
        %add3A_604 = arith.constant 12 : i32
        %add3A_605 = vector.broadcast %add3A_604 : i32 to vector<16xi32>
        %add3A_606 = arith.addi %mul3A_603, %add3A_605 : vector<16xi32>
        %add3A_607 = arith.addf %unpack3A_599, %unpack3A_600 : vector<16xf32>
        tpu.vector_store_idx %arg11[%add3A_606], %add3A_607 : memref<256xf32, #tpu.memory_space<vmem>>[vector<16xi32>], vector<16xf32>,
        %add3A_608 = arith.addi %mul3A_41, %mul3A_50 : i32
        %add3A_609 = arith.constant 13 : i32
        %add3A_610 = arith.addi %add3A_608, %add3A_609 : i32
        %get3A_611 = arith.index_cast %add3A_610 : i32 to index
        %get3A_612 = arith.constant 0 : index
        %get3A_613 = tpu.vector_load %arg9[%get3A_611, %get3A_612] {strides = array<i32>} : memref<160x128xbf16, #tpu.memory_space<vmem>>, vector<32xbf16>,
        %get3A_614 = arith.index_cast %add3A_610 : i32 to index
        %get3A_615 = arith.constant 0 : index
        %get3A_616 = tpu.vector_load %arg10[%get3A_614, %get3A_615] {strides = array<i32>} : memref<160x128xbf16, #tpu.memory_space<vmem>>, vector<32xbf16>,
        %mul3A_617 = arith.mulf %get3A_613, %get3A_616 : vector<32xbf16>
        %get3A_618 = arith.index_cast %add3A_610 : i32 to index
        %get3A_619 = arith.constant 32 : index
        %get3A_620 = tpu.vector_load %arg9[%get3A_618, %get3A_619] {strides = array<i32>} : memref<160x128xbf16, #tpu.memory_space<vmem>>, vector<32xbf16>,
        %get3A_621 = arith.index_cast %add3A_610 : i32 to index
        %get3A_622 = arith.constant 32 : index
        %get3A_623 = tpu.vector_load %arg10[%get3A_621, %get3A_622] {strides = array<i32>} : memref<160x128xbf16, #tpu.memory_space<vmem>>, vector<32xbf16>,
        %mul3A_624 = arith.mulf %get3A_620, %get3A_623 : vector<32xbf16>
        %get3A_625 = arith.index_cast %add3A_610 : i32 to index
        %get3A_626 = arith.constant 64 : index
        %get3A_627 = tpu.vector_load %arg9[%get3A_625, %get3A_626] {strides = array<i32>} : memref<160x128xbf16, #tpu.memory_space<vmem>>, vector<32xbf16>,
        %get3A_628 = arith.index_cast %add3A_610 : i32 to index
        %get3A_629 = arith.constant 64 : index
        %get3A_630 = tpu.vector_load %arg10[%get3A_628, %get3A_629] {strides = array<i32>} : memref<160x128xbf16, #tpu.memory_space<vmem>>, vector<32xbf16>,
        %mul3A_631 = arith.mulf %get3A_627, %get3A_630 : vector<32xbf16>
        %get3A_632 = arith.index_cast %add3A_610 : i32 to index
        %get3A_633 = arith.constant 96 : index
        %get3A_634 = tpu.vector_load %arg9[%get3A_632, %get3A_633] {strides = array<i32>} : memref<160x128xbf16, #tpu.memory_space<vmem>>, vector<32xbf16>,
        %get3A_635 = arith.index_cast %add3A_610 : i32 to index
        %get3A_636 = arith.constant 96 : index
        %get3A_637 = tpu.vector_load %arg10[%get3A_635, %get3A_636] {strides = array<i32>} : memref<160x128xbf16, #tpu.memory_space<vmem>>, vector<32xbf16>,
        %mul3A_638 = arith.mulf %get3A_634, %get3A_637 : vector<32xbf16>
        %add3A_639 = arith.addf %mul3A_617, %mul3A_624 : vector<32xbf16>
        %add3A_640 = arith.addf %mul3A_631, %mul3A_638 : vector<32xbf16>
        %add3A_641 = arith.addf %add3A_639, %add3A_640 : vector<32xbf16>
        %unpack3A_642 = tpu.unpack_subelements %add3A_641, 0 {pack_format = #tpu.pack_format<interleaved>} : vector<32xbf16> -> vector<16xf32>
        %unpack3A_643 = tpu.unpack_subelements %add3A_641, 1 {pack_format = #tpu.pack_format<interleaved>} : vector<32xbf16> -> vector<16xf32>
        %mul3A_644 = arith.constant 16 : i32
        %mul3A_645 = vector.broadcast %mul3A_644 : i32 to vector<16xi32>
        %mul3A_646 = arith.muli %iota3A, %mul3A_645 : vector<16xi32>
        %add3A_647 = arith.constant 13 : i32
        %add3A_648 = vector.broadcast %add3A_647 : i32 to vector<16xi32>
        %add3A_649 = arith.addi %mul3A_646, %add3A_648 : vector<16xi32>
        %add3A_650 = arith.addf %unpack3A_642, %unpack3A_643 : vector<16xf32>
        tpu.vector_store_idx %arg11[%add3A_649], %add3A_650 : memref<256xf32, #tpu.memory_space<vmem>>[vector<16xi32>], vector<16xf32>,
        %add3A_651 = arith.addi %mul3A_41, %mul3A_50 : i32
        %add3A_652 = arith.constant 14 : i32
        %add3A_653 = arith.addi %add3A_651, %add3A_652 : i32
        %get3A_654 = arith.index_cast %add3A_653 : i32 to index
        %get3A_655 = arith.constant 0 : index
        %get3A_656 = tpu.vector_load %arg9[%get3A_654, %get3A_655] {strides = array<i32>} : memref<160x128xbf16, #tpu.memory_space<vmem>>, vector<32xbf16>,
        %get3A_657 = arith.index_cast %add3A_653 : i32 to index
        %get3A_658 = arith.constant 0 : index
        %get3A_659 = tpu.vector_load %arg10[%get3A_657, %get3A_658] {strides = array<i32>} : memref<160x128xbf16, #tpu.memory_space<vmem>>, vector<32xbf16>,
        %mul3A_660 = arith.mulf %get3A_656, %get3A_659 : vector<32xbf16>
        %get3A_661 = arith.index_cast %add3A_653 : i32 to index
        %get3A_662 = arith.constant 32 : index
        %get3A_663 = tpu.vector_load %arg9[%get3A_661, %get3A_662] {strides = array<i32>} : memref<160x128xbf16, #tpu.memory_space<vmem>>, vector<32xbf16>,
        %get3A_664 = arith.index_cast %add3A_653 : i32 to index
        %get3A_665 = arith.constant 32 : index
        %get3A_666 = tpu.vector_load %arg10[%get3A_664, %get3A_665] {strides = array<i32>} : memref<160x128xbf16, #tpu.memory_space<vmem>>, vector<32xbf16>,
        %mul3A_667 = arith.mulf %get3A_663, %get3A_666 : vector<32xbf16>
        %get3A_668 = arith.index_cast %add3A_653 : i32 to index
        %get3A_669 = arith.constant 64 : index
        %get3A_670 = tpu.vector_load %arg9[%get3A_668, %get3A_669] {strides = array<i32>} : memref<160x128xbf16, #tpu.memory_space<vmem>>, vector<32xbf16>,
        %get3A_671 = arith.index_cast %add3A_653 : i32 to index
        %get3A_672 = arith.constant 64 : index
        %get3A_673 = tpu.vector_load %arg10[%get3A_671, %get3A_672] {strides = array<i32>} : memref<160x128xbf16, #tpu.memory_space<vmem>>, vector<32xbf16>,
        %mul3A_674 = arith.mulf %get3A_670, %get3A_673 : vector<32xbf16>
        %get3A_675 = arith.index_cast %add3A_653 : i32 to index
        %get3A_676 = arith.constant 96 : index
        %get3A_677 = tpu.vector_load %arg9[%get3A_675, %get3A_676] {strides = array<i32>} : memref<160x128xbf16, #tpu.memory_space<vmem>>, vector<32xbf16>,
        %get3A_678 = arith.index_cast %add3A_653 : i32 to index
        %get3A_679 = arith.constant 96 : index
        %get3A_680 = tpu.vector_load %arg10[%get3A_678, %get3A_679] {strides = array<i32>} : memref<160x128xbf16, #tpu.memory_space<vmem>>, vector<32xbf16>,
        %mul3A_681 = arith.mulf %get3A_677, %get3A_680 : vector<32xbf16>
        %add3A_682 = arith.addf %mul3A_660, %mul3A_667 : vector<32xbf16>
        %add3A_683 = arith.addf %mul3A_674, %mul3A_681 : vector<32xbf16>
        %add3A_684 = arith.addf %add3A_682, %add3A_683 : vector<32xbf16>
        %unpack3A_685 = tpu.unpack_subelements %add3A_684, 0 {pack_format = #tpu.pack_format<interleaved>} : vector<32xbf16> -> vector<16xf32>
        %unpack3A_686 = tpu.unpack_subelements %add3A_684, 1 {pack_format = #tpu.pack_format<interleaved>} : vector<32xbf16> -> vector<16xf32>
        %mul3A_687 = arith.constant 16 : i32
        %mul3A_688 = vector.broadcast %mul3A_687 : i32 to vector<16xi32>
        %mul3A_689 = arith.muli %iota3A, %mul3A_688 : vector<16xi32>
        %add3A_690 = arith.constant 14 : i32
        %add3A_691 = vector.broadcast %add3A_690 : i32 to vector<16xi32>
        %add3A_692 = arith.addi %mul3A_689, %add3A_691 : vector<16xi32>
        %add3A_693 = arith.addf %unpack3A_685, %unpack3A_686 : vector<16xf32>
        tpu.vector_store_idx %arg11[%add3A_692], %add3A_693 : memref<256xf32, #tpu.memory_space<vmem>>[vector<16xi32>], vector<16xf32>,
        %add3A_694 = arith.addi %mul3A_41, %mul3A_50 : i32
        %add3A_695 = arith.constant 15 : i32
        %add3A_696 = arith.addi %add3A_694, %add3A_695 : i32
        %get3A_697 = arith.index_cast %add3A_696 : i32 to index
        %get3A_698 = arith.constant 0 : index
        %get3A_699 = tpu.vector_load %arg9[%get3A_697, %get3A_698] {strides = array<i32>} : memref<160x128xbf16, #tpu.memory_space<vmem>>, vector<32xbf16>,
        %get3A_700 = arith.index_cast %add3A_696 : i32 to index
        %get3A_701 = arith.constant 0 : index
        %get3A_702 = tpu.vector_load %arg10[%get3A_700, %get3A_701] {strides = array<i32>} : memref<160x128xbf16, #tpu.memory_space<vmem>>, vector<32xbf16>,
        %mul3A_703 = arith.mulf %get3A_699, %get3A_702 : vector<32xbf16>
        %get3A_704 = arith.index_cast %add3A_696 : i32 to index
        %get3A_705 = arith.constant 32 : index
        %get3A_706 = tpu.vector_load %arg9[%get3A_704, %get3A_705] {strides = array<i32>} : memref<160x128xbf16, #tpu.memory_space<vmem>>, vector<32xbf16>,
        %get3A_707 = arith.index_cast %add3A_696 : i32 to index
        %get3A_708 = arith.constant 32 : index
        %get3A_709 = tpu.vector_load %arg10[%get3A_707, %get3A_708] {strides = array<i32>} : memref<160x128xbf16, #tpu.memory_space<vmem>>, vector<32xbf16>,
        %mul3A_710 = arith.mulf %get3A_706, %get3A_709 : vector<32xbf16>
        %get3A_711 = arith.index_cast %add3A_696 : i32 to index
        %get3A_712 = arith.constant 64 : index
        %get3A_713 = tpu.vector_load %arg9[%get3A_711, %get3A_712] {strides = array<i32>} : memref<160x128xbf16, #tpu.memory_space<vmem>>, vector<32xbf16>,
        %get3A_714 = arith.index_cast %add3A_696 : i32 to index
        %get3A_715 = arith.constant 64 : index
        %get3A_716 = tpu.vector_load %arg10[%get3A_714, %get3A_715] {strides = array<i32>} : memref<160x128xbf16, #tpu.memory_space<vmem>>, vector<32xbf16>,
        %mul3A_717 = arith.mulf %get3A_713, %get3A_716 : vector<32xbf16>
        %get3A_718 = arith.index_cast %add3A_696 : i32 to index
        %get3A_719 = arith.constant 96 : index
        %get3A_720 = tpu.vector_load %arg9[%get3A_718, %get3A_719] {strides = array<i32>} : memref<160x128xbf16, #tpu.memory_space<vmem>>, vector<32xbf16>,
        %get3A_721 = arith.index_cast %add3A_696 : i32 to index
        %get3A_722 = arith.constant 96 : index
        %get3A_723 = tpu.vector_load %arg10[%get3A_721, %get3A_722] {strides = array<i32>} : memref<160x128xbf16, #tpu.memory_space<vmem>>, vector<32xbf16>,
        %mul3A_724 = arith.mulf %get3A_720, %get3A_723 : vector<32xbf16>
        %add3A_725 = arith.addf %mul3A_703, %mul3A_710 : vector<32xbf16>
        %add3A_726 = arith.addf %mul3A_717, %mul3A_724 : vector<32xbf16>
        %add3A_727 = arith.addf %add3A_725, %add3A_726 : vector<32xbf16>
        %unpack3A_728 = tpu.unpack_subelements %add3A_727, 0 {pack_format = #tpu.pack_format<interleaved>} : vector<32xbf16> -> vector<16xf32>
        %unpack3A_729 = tpu.unpack_subelements %add3A_727, 1 {pack_format = #tpu.pack_format<interleaved>} : vector<32xbf16> -> vector<16xf32>
        %mul3A_730 = arith.constant 16 : i32
        %mul3A_731 = vector.broadcast %mul3A_730 : i32 to vector<16xi32>
        %mul3A_732 = arith.muli %iota3A, %mul3A_731 : vector<16xi32>
        %add3A_733 = arith.constant 15 : i32
        %add3A_734 = vector.broadcast %add3A_733 : i32 to vector<16xi32>
        %add3A_735 = arith.addi %mul3A_732, %add3A_734 : vector<16xi32>
        %add3A_736 = arith.addf %unpack3A_728, %unpack3A_729 : vector<16xf32>
        tpu.vector_store_idx %arg11[%add3A_735], %add3A_736 : memref<256xf32, #tpu.memory_space<vmem>>[vector<16xi32>], vector<16xf32>,
        %get3A_737 = arith.constant 0 : index
        %get3A_738 = tpu.vector_load %arg11[%get3A_737] {strides = array<i32>} : memref<256xf32, #tpu.memory_space<vmem>>, vector<16xf32>,
        %get3A_739 = arith.constant 16 : index
        %get3A_740 = tpu.vector_load %arg11[%get3A_739] {strides = array<i32>} : memref<256xf32, #tpu.memory_space<vmem>>, vector<16xf32>,
        %get3A_741 = arith.constant 32 : index
        %get3A_742 = tpu.vector_load %arg11[%get3A_741] {strides = array<i32>} : memref<256xf32, #tpu.memory_space<vmem>>, vector<16xf32>,
        %get3A_743 = arith.constant 48 : index
        %get3A_744 = tpu.vector_load %arg11[%get3A_743] {strides = array<i32>} : memref<256xf32, #tpu.memory_space<vmem>>, vector<16xf32>,
        %get3A_745 = arith.constant 64 : index
        %get3A_746 = tpu.vector_load %arg11[%get3A_745] {strides = array<i32>} : memref<256xf32, #tpu.memory_space<vmem>>, vector<16xf32>,
        %get3A_747 = arith.constant 80 : index
        %get3A_748 = tpu.vector_load %arg11[%get3A_747] {strides = array<i32>} : memref<256xf32, #tpu.memory_space<vmem>>, vector<16xf32>,
        %get3A_749 = arith.constant 96 : index
        %get3A_750 = tpu.vector_load %arg11[%get3A_749] {strides = array<i32>} : memref<256xf32, #tpu.memory_space<vmem>>, vector<16xf32>,
        %get3A_751 = arith.constant 112 : index
        %get3A_752 = tpu.vector_load %arg11[%get3A_751] {strides = array<i32>} : memref<256xf32, #tpu.memory_space<vmem>>, vector<16xf32>,
        %get3A_753 = arith.constant 128 : index
        %get3A_754 = tpu.vector_load %arg11[%get3A_753] {strides = array<i32>} : memref<256xf32, #tpu.memory_space<vmem>>, vector<16xf32>,
        %get3A_755 = arith.constant 144 : index
        %get3A_756 = tpu.vector_load %arg11[%get3A_755] {strides = array<i32>} : memref<256xf32, #tpu.memory_space<vmem>>, vector<16xf32>,
        %get3A_757 = arith.constant 160 : index
        %get3A_758 = tpu.vector_load %arg11[%get3A_757] {strides = array<i32>} : memref<256xf32, #tpu.memory_space<vmem>>, vector<16xf32>,
        %get3A_759 = arith.constant 176 : index
        %get3A_760 = tpu.vector_load %arg11[%get3A_759] {strides = array<i32>} : memref<256xf32, #tpu.memory_space<vmem>>, vector<16xf32>,
        %get3A_761 = arith.constant 192 : index
        %get3A_762 = tpu.vector_load %arg11[%get3A_761] {strides = array<i32>} : memref<256xf32, #tpu.memory_space<vmem>>, vector<16xf32>,
        %get3A_763 = arith.constant 208 : index
        %get3A_764 = tpu.vector_load %arg11[%get3A_763] {strides = array<i32>} : memref<256xf32, #tpu.memory_space<vmem>>, vector<16xf32>,
        %get3A_765 = arith.constant 224 : index
        %get3A_766 = tpu.vector_load %arg11[%get3A_765] {strides = array<i32>} : memref<256xf32, #tpu.memory_space<vmem>>, vector<16xf32>,
        %get3A_767 = arith.constant 240 : index
        %get3A_768 = tpu.vector_load %arg11[%get3A_767] {strides = array<i32>} : memref<256xf32, #tpu.memory_space<vmem>>, vector<16xf32>,
        %add3A_769 = arith.addf %get3A_738, %get3A_740 : vector<16xf32>
        %add3A_770 = arith.addf %get3A_742, %get3A_744 : vector<16xf32>
        %add3A_771 = arith.addf %get3A_746, %get3A_748 : vector<16xf32>
        %add3A_772 = arith.addf %get3A_750, %get3A_752 : vector<16xf32>
        %add3A_773 = arith.addf %get3A_754, %get3A_756 : vector<16xf32>
        %add3A_774 = arith.addf %get3A_758, %get3A_760 : vector<16xf32>
        %add3A_775 = arith.addf %get3A_762, %get3A_764 : vector<16xf32>
        %add3A_776 = arith.addf %get3A_766, %get3A_768 : vector<16xf32>
        %add3A_777 = arith.addf %add3A_769, %add3A_770 : vector<16xf32>
        %add3A_778 = arith.addf %add3A_771, %add3A_772 : vector<16xf32>
        %add3A_779 = arith.addf %add3A_773, %add3A_774 : vector<16xf32>
        %add3A_780 = arith.addf %add3A_775, %add3A_776 : vector<16xf32>
        %add3A_781 = arith.addf %add3A_777, %add3A_778 : vector<16xf32>
        %add3A_782 = arith.addf %add3A_779, %add3A_780 : vector<16xf32>
        %add3A_783 = arith.addf %add3A_781, %add3A_782 : vector<16xf32>
        %add3A_784 = arith.addi %mul3A_25, %mul3A_50 : i32
        %swap3A = arith.index_cast %add3A_784 : i32 to index
        %swap3A_785 = tpu.vector_load %arg12[%swap3A] {strides = array<i32>} : memref<10000xf32, #tpu.memory_space<vmem>>, vector<16xf32>,
        tpu.vector_store %arg12[%swap3A], %add3A_783 {strides = array<i32>} : memref<10000xf32, #tpu.memory_space<vmem>>, vector<16xf32>,
      }
      %scan3A_47 = arith.constant 5 : i32
    }
    %scan3A_22 = arith.constant 125 : i32
    "tpu.region"() ({
      %run_scoped3A = tpu.sem_alloc : memref<!tpu.dma_semaphore, #tpu.memory_space<semaphore_mem>>
      %dma_start3A_23 = tpu.memref_slice %arg6[%mul3A_2] : memref<320000xf32, #tpu.memory_space<hbm>> -> memref<10000xf32, #tpu.memory_space<hbm>>
      %dma_start3A_24 = tpu.memref_slice %arg6[%mul3A_2] : memref<320000xf32, #tpu.memory_space<hbm>> -> memref<10000xf32, #tpu.memory_space<hbm>>
      tpu.enqueue_dma source(%arg12 : memref<10000xf32, #tpu.memory_space<vmem>>) target(%dma_start3A_24 : memref<10000xf32, #tpu.memory_space<hbm>>) target_semaphore(%run_scoped3A : memref<!tpu.dma_semaphore, #tpu.memory_space<semaphore_mem>>)
      %dma_wait3A = tpu.memref_slice %arg6[%mul3A_2] : memref<320000xf32, #tpu.memory_space<hbm>> -> memref<10000xf32, #tpu.memory_space<hbm>>
      %dma_wait3A_25 = tpu.memref_slice %arg6[%mul3A_2] : memref<320000xf32, #tpu.memory_space<hbm>> -> memref<10000xf32, #tpu.memory_space<hbm>>
      tpu.wait_dma2 semaphore(%run_scoped3A : memref<!tpu.dma_semaphore, #tpu.memory_space<semaphore_mem>>) src(%arg12 : memref<10000xf32, #tpu.memory_space<vmem>>) dst(%dma_wait3A_25 : memref<10000xf32, #tpu.memory_space<hbm>>)
      tpu.yield
    }) : () -> ()
    return
  }
}

module attributes {stable_mosaic.version = 14 : i64} {
  func.func @_prep_body(%arg0: i32, %arg1: memref<1000x128xf32, #tpu.memory_space<vmem>>, %arg2: memref<1x128xf32, #tpu.memory_space<vmem>>, %arg3: memref<1000x128xbf16, #tpu.memory_space<vmem>>, %arg4: memref<1000x128xbf16, #tpu.memory_space<vmem>>) attributes {dimension_semantics = [#tpu.dimension_semantics<arbitrary>], iteration_bounds = array<i64: 10>, scalar_prefetch = 0 : i64, scratch_operands = 0 : i64, tpu.core_type = #tpu.core_type<tc>, window_params = [{transform_indices = @transform_0, window_bounds = array<i64: 1000, 128>}, {pipeline_mode = #tpu.pipeline_mode<synchronous>, transform_indices = @transform_1, window_bounds = array<i64: 1, 128>}, {transform_indices = @transform_2, window_bounds = array<i64: 1000, 128>}, {transform_indices = @transform_3, window_bounds = array<i64: 1000, 128>}]} {
    %get3A = arith.constant 0 : index
    %get3A_0 = arith.constant 0 : index
    %get3A_1 = vector.load %arg1[%get3A, %get3A_0] : memref<1000x128xf32, #tpu.memory_space<vmem>>, vector<1000x128xf32>
    %mul3A = arith.mulf %get3A_1, %get3A_1 : vector<1000x128xf32>
    %reduce_sum3A = arith.constant dense<0.000000e+00> : vector<1000xf32>
    %reduce_sum3A_2 = vector.multi_reduction <add>, %mul3A, %reduce_sum3A [1] : vector<1000x128xf32> to vector<1000xf32>
    %broadcast_in_dim3A = vector.shape_cast %reduce_sum3A_2 : vector<1000xf32> to vector<1000x1xf32>
    %sqrt3A = math.sqrt %broadcast_in_dim3A : vector<1000x1xf32>
    %max3A = arith.constant 9.99999996E-13 : f32
    %max3A_3 = vector.broadcast %max3A : f32 to vector<1000x1xf32>
    %max3A_4 = arith.maximumf %sqrt3A, %max3A_3 : vector<1000x1xf32>
    %div3A = arith.constant 1.000000e+00 : f32
    %div3A_5 = vector.broadcast %div3A : f32 to vector<1000x1xf32>
    %div3A_6 = arith.divf %div3A_5, %max3A_4 : vector<1000x1xf32>
    %mul3A_7 = vector.broadcast %div3A_6 : vector<1000x1xf32> to vector<1000x128xf32>
    %mul3A_8 = arith.mulf %get3A_1, %mul3A_7 : vector<1000x128xf32>
    %convert_element_type3A = arith.truncf %mul3A_8 : vector<1000x128xf32> to vector<1000x128xbf16>
    %swap3A = arith.constant 0 : index
    %swap3A_9 = arith.constant 0 : index
    %swap3A_10 = vector.load %arg4[%swap3A, %swap3A_9] : memref<1000x128xbf16, #tpu.memory_space<vmem>>, vector<1000x128xbf16>
    tpu.vector_store %arg4[%swap3A, %swap3A_9], %convert_element_type3A {strides = array<i32>} : memref<1000x128xbf16, #tpu.memory_space<vmem>>, vector<1000x128xbf16>,
    %get3A_11 = arith.constant 0 : index
    %get3A_12 = arith.constant 0 : index
    %get3A_13 = vector.load %arg2[%get3A_11, %get3A_12] : memref<1x128xf32, #tpu.memory_space<vmem>>, vector<1x128xf32>
    %mul3A_14 = vector.broadcast %get3A_13 : vector<1x128xf32> to vector<1000x128xf32>
    %mul3A_15 = arith.mulf %mul3A_8, %mul3A_14 : vector<1000x128xf32>
    %convert_element_type3A_16 = arith.truncf %mul3A_15 : vector<1000x128xf32> to vector<1000x128xbf16>
    %swap3A_17 = arith.constant 0 : index
    %swap3A_18 = arith.constant 0 : index
    %swap3A_19 = vector.load %arg3[%swap3A_17, %swap3A_18] : memref<1000x128xbf16, #tpu.memory_space<vmem>>, vector<1000x128xbf16>
    tpu.vector_store %arg3[%swap3A_17, %swap3A_18], %convert_element_type3A_16 {strides = array<i32>} : memref<1000x128xbf16, #tpu.memory_space<vmem>>, vector<1000x128xbf16>,
    return
  }
  func.func @transform_0(%arg0: i32) -> (i32, i32) {
    %c0_i32 = arith.constant 0 : i32
    %c0_i32_0 = arith.constant 0 : i32
    return %arg0, %c0_i32 : i32, i32
  }
  func.func @transform_1(%arg0: i32) -> (i32, i32) {
    %c0_i32 = arith.constant 0 : i32
    %c0_i32_0 = arith.constant 0 : i32
    %c0_i32_1 = arith.constant 0 : i32
    return %c0_i32, %c0_i32_0 : i32, i32
  }
  func.func @transform_2(%arg0: i32) -> (i32, i32) {
    %c0_i32 = arith.constant 0 : i32
    %c0_i32_0 = arith.constant 0 : i32
    return %arg0, %c0_i32 : i32, i32
  }
  func.func @transform_3(%arg0: i32) -> (i32, i32) {
    %c0_i32 = arith.constant 0 : i32
    %c0_i32_0 = arith.constant 0 : i32
    return %arg0, %c0_i32 : i32, i32
  }
}

</mosaic_0001>

<sc_bundles>
// kernel: kernel.4.cloned.1.call-start
scs
__scs_entry_jumppad:
0x0: {  	(pc) =	sbr.rel $0x88, $3  }
0x1: {  	(tag) =	ssettag $0x0;
	lr =	simm.s32 $0x1  }
0x2: {  	[smem:$0x3F9D] =	sst lr;
	_ =	strace $0xD0000000  }
0x3: {  	_ = 	snop  }
0x4: {  	_ = 	snop  }
0x5: {  	_ = 	snop  }
0x6: {  	_ = 	snop  }
0x7: {  	_ = 	snop  }
__scs_overlays_trampoline_lowered:
0x8: {  	[smem:$0x3FAC] =	sst s0  }
0x9: {  	[smem:$0x3FAD] =	sst s1  }
0xa: {  	[smem:$0x3FAE] =	sst s2  }
0xb: {  	[smem:$0x3FAF] =	sst s3  }
0xc: {  	[smem:$0x3FB0] =	sst s4  }
0xd: {  	[smem:$0x3FB1] =	sst s5  }
0xe: {  	[smem:$0x3FB2] =	sst s6  }
0xf: {  	[smem:$0x3FB3] =	sst s7  }
0x10: {  	[smem:$0x3FB4] =	sst s8  }
0x11: {  	[smem:$0x3FB5] =	sst s9;
	s0 =	simm.s32 @!p0 $0x0  }
0x12: {  	s1 =	sld [smem:$0x3F9B];
	s0 =	simm.s32 @p0 $0x1  }
0x13: {  	[smem:$0x3FB6] =	sst s0;
	s0 =	simm.s32 @!p1 $0x0  }
0x14: {  	s2 =	sld [smem:$0x3F9A];
	s0 =	simm.s32 @p1 $0x1  }
0x15: {  	[smem:$0x3FB7] =	sst s0;
	s0 =	simm.s32 @!p2 $0x0  }
0x16: {  	s3 =	sld [smem:$0x3FDB];
	s0 =	simm.s32 @p2 $0x1  }
0x17: {  	s4 =	simm.s32 $0x1BF5;
	[smem:$0x3FB9] =	sst s0  }
0x18: {  	s0 =	sld [smem:$0x3F9C];
	_ =	swait.ge [sflag:s4], $0x0  }
0x19: {  	s7 =	sld [smem:$0x3F9D]  }
0x1a: {  	s8 =	sadd.s32 $0xFFFFE003, lr  }
0x1b: {  	s9 =	sadd.s32 $0xFFFFFEF7, lr;
	s5 =	simm.s32 $0xFFFFFFFF;
	p2 =	slt.u32 s8, $0xFFFFF086  }
0x1c: {  	p1 =	slt.u32 s9, $0xF7A;
	s5 =	simm.s32 @!p2 $0x0  }
0x1d: {  	s5 =	simm.s32 @p1 $0x1;
	p0 =	seq.s32 s7, s2  }
0x1e: {  	s7 =	smul.u32 @!p0 $0xF7A, s2;
	p2 =	seq.s32 @!p0 s5, $0x0  }
0x1f: {  	s9 =	smul.u32 $0xF7A, s1;
	s8 =	simm.s32 @!p0 $0x1BF5;
	p2 =	por !p2, p0  }
0x20: {  	[sflag:s8] =	ssyncset.s32 @!p0 $0xFFFFF086;
	s6 =	sadd.s32 @!p0 s3, s7;
	s7 =	simm.s32 @!p0 $0x108  }
0x21: {  	s3 =	sadd.s32 s3, s9;
	s6 =	sadd.s32 @!p0 $0x88, s6;
	s7 =	simm.s32 @p2 $0x1082  }
0x22: {  	[simem:s7], [sflag:s8] =	dma.local @!p0 [hbm:s6], $0xF7A  }
0x23: {  	s9 =	sor.u32 $0xD0000000, s2;
	s6 =	simm.s32 $0x108;
	_ =	swait.ge @!p0 [sflag:s8], $0x0  }
0x24: {  	s3 =	sadd.s32 $0x88, s3;
	s6 =	simm.s32 @!p1 $0x1082;
	[sflag:s4] =	ssyncset.s32 $0xFFFFF086  }
0x25: {  	[simem:s6], [sflag:s4] =	dma.local [hbm:s3], $0xF7A  }
0x26: {  	[smem:$0x3F9D] =	sst s1;
	(tag) =	ssettag s2;
	_ =	strace s9  }
0x27: {  	s1 =	sld [smem:$0x3FAD]  }
0x28: {  	s2 =	sld [smem:$0x3FAE]  }
0x29: {  	s4 =	sld [smem:$0x3FB0]  }
0x2a: {  	p0 =	seq.s32 s5, $0x0;
	s5 =	sld [smem:$0x3FB1]  }
0x2b: {  	s6 =	sld [smem:$0x3FB2]  }
0x2c: {  	s7 =	sld [smem:$0x3FB3]  }
0x2d: {  	s3 =	simm.s32 $0x108;
	s8 =	sld [smem:$0x3FB4]  }
0x2e: {  	s3 =	simm.s32 @!p0 $0x1082;
	s9 =	sld [smem:$0x3FB5]  }
0x2f: {  	lr =	sadd.s32 s0, s3;
	s0 =	sld [smem:$0x3FAC]  }
0x30: {  	s3 =	sld [smem:$0x3FAF]  }
0x31: {  	[smem:$0x3FB8] =	sst s10  }
0x32: {  	s10 =	sld [smem:$0x3FB6];
	_ =	sdelay $0x3  }
0x33: {  	p0 =	seq.s32 s10, $0x1;
	s10 =	sld [smem:$0x3FB8];
	_ =	sdelay $0x3  }
0x34: {  	[smem:$0x3FB8] =	sst s10  }
0x35: {  	s10 =	sld [smem:$0x3FB7];
	_ =	sdelay $0x3  }
0x36: {  	p1 =	seq.s32 s10, $0x1;
	s10 =	sld [smem:$0x3FB8];
	_ =	sdelay $0x3  }
0x37: {  	[smem:$0x3FB8] =	sst s10  }
0x38: {  	s10 =	sld [smem:$0x3FB9]  }
0x39: {  	_ = 	snop;
	(pc) =	sbr.ind lr, $3  }
0x3a: {  	_ = 	snop  }
0x3b: {  	_ = 	snop  }
0x3c: {  	p2 =	seq.s32 s10, $0x1;
	s10 =	sld [smem:$0x3FB8]  }
0x3d: {  	_ =	shalt  }
0x3e: {  	_ =	shalt  }
0x3f: {  	_ =	shalt  }
0x40: {  	_ =	shalt  }
0x41: {  	_ =	shalt  }
0x42: {  	_ =	shalt  }
0x43: {  	_ =	shalt  }
0x44: {  	_ =	shalt  }
0x45: {  	_ =	shalt  }
0x46: {  	_ =	shalt  }
0x47: {  	_ =	shalt  }
0x48: {  	_ =	shalt  }
0x49: {  	_ =	shalt  }
0x4a: {  	_ =	shalt  }
0x4b: {  	_ =	shalt  }
0x4c: {  	_ =	shalt  }
0x4d: {  	_ =	shalt  }
0x4e: {  	_ =	shalt  }
0x4f: {  	_ =	shalt  }
0x50: {  	_ =	shalt  }
0x51: {  	_ =	shalt  }
0x52: {  	_ =	shalt  }
0x53: {  	_ =	shalt  }
0x54: {  	_ =	shalt  }
0x55: {  	_ =	shalt  }
0x56: {  	_ =	shalt  }
0x57: {  	_ =	shalt  }
0x58: {  	_ =	shalt  }
0x59: {  	_ =	shalt  }
0x5a: {  	_ =	shalt  }
0x5b: {  	_ =	shalt  }
0x5c: {  	_ =	shalt  }
0x5d: {  	_ =	shalt  }
0x5e: {  	_ =	shalt  }
0x5f: {  	_ =	shalt  }
0x60: {  	_ =	shalt  }
0x61: {  	_ =	shalt  }
0x62: {  	_ =	shalt  }
0x63: {  	_ =	shalt  }
0x64: {  	_ =	shalt  }
0x65: {  	_ =	shalt  }
0x66: {  	_ =	shalt  }
0x67: {  	_ =	shalt  }
0x68: {  	_ =	shalt  }
0x69: {  	_ =	shalt  }
0x6a: {  	_ =	shalt  }
0x6b: {  	_ =	shalt  }
0x6c: {  	_ =	shalt  }
0x6d: {  	_ =	shalt  }
0x6e: {  	_ =	shalt  }
0x6f: {  	_ =	shalt  }
0x70: {  	_ =	shalt  }
0x71: {  	_ =	shalt  }
0x72: {  	_ =	shalt  }
0x73: {  	_ =	shalt  }
0x74: {  	_ =	shalt  }
0x75: {  	_ =	shalt  }
0x76: {  	_ =	shalt  }
0x77: {  	_ =	shalt  }
0x78: {  	_ =	shalt  }
0x79: {  	_ =	shalt  }
0x7a: {  	_ =	shalt  }
0x7b: {  	_ =	shalt  }
0x7c: {  	_ =	shalt  }
0x7d: {  	_ =	shalt  }
0x7e: {  	_ =	shalt  }
0x7f: {  	_ =	shalt  }
0x80: {  	_ =	shalt  }
0x81: {  	_ =	shalt  }
0x82: {  	_ =	shalt  }
0x83: {  	_ =	shalt  }
0x84: {  	_ =	shalt  }
0x85: {  	_ =	shalt  }
0x86: {  	_ =	shalt  }
0x87: {  	_ =	shalt  }
.Lfunc_end0:
.L_simem_size_0:
called_computation_lowered:
.L_overlay_start_0:
0x88: {  	s2 =	sld [smem:$0x3FD9]  }
0x89: {  	s3 =	sld [smem:$0x3FFE];
	_ =	sdelay $0x1  }
0x8a: {  	s1 =	srdreg.scid  }
0x8b: {  	s0 =	sand.u32 $0x1, s1  }
0x8c: {  	s16 =	sshll.u32 s0, $0xA;
	s2 =	sadd.s32 s3, s2  }
0x8d: {  	s2 =	sadd.s32 s2, s16  }
0x8e: {  	[smem:$0x3FC4] =	sst s2  }
0x8f: {  	_ = 	snop  }
0x90: {  	(tm) =	ssettm $0x1  }
0x91: {  	s17 =	sld [smem:$0x3FFB];
	_ =	sdelay $0x3  }
0x92: {  	_ =	strace s17  }
0x93: {  	s2 =	sld [smem:$0x3FFC];
	_ =	sdelay $0x3  }
0x94: {  	_ =	strace s2  }
0x95: {  	s2 =	sld [smem:$0x3FFD];
	_ =	sdelay $0x3  }
0x96: {  	_ =	strace s2  }
0x97: {  	_ =	strace $0x8FFFFFFF  }
0x98: {  	s18 =	sld [smem:$0x3FDB];
	_ =	sdelay $0x1  }
0x99: {  	s19 =	simm.s32 $_scs_section_size  }
0x9a: {  	s4 =	simm.s32 $_size__tile_overlayer_lowered;
	s5 =	simm.s32 $_tile_overlayer_lowered  }
0x9b: {  	s22 =	simm.s32 $0x1BFF;
	s21 =	sshll.u32 s5, $0x1;
	s2 =	sadd.s32 s19, s18  }
0x9c: {  	s6 =	simm.s32 $0x0;
	s20 =	sshll.u32 s4, $0x1;
	s4 =	sadd.s32 s21, s2  }
0x9d: {  	[timem:s6], [sflag:s22] =	dma.local [hbm:s4], s20  }
0x9e: {  	_ =	swait.ge [sflag:s22], s20  }
0x9f: {  	s3 =	ssub.s32 $0x0, s20;
	[sflag:s22] =	ssyncset.done $0x0  }
0xa0: {  	[sflag:s22] =	ssyncadd.s32 s3;
	_ =	sdelay $0x1  }
0xa1: {  	s23 =	simm.s32 $0x1B8B  }
0xa2: {  	_ =	swait.ge [sflag:s23], $0x1  }
0xa3: {  	[sflag:s23] =	ssyncset.done $0x0  }
0xa4: {  	s25 =	simm.s32 $0x1B8E;
	s24 =	sld [smem:$0x3FFE];
	[sflag:s23] =	ssyncadd.s32 $0xFFFFFFFF  }
0xa5: {  	s26 =	simm.s32 $execute0_lowered;
	[smem:$0x3FD2] =	sst s25  }
0xa6: {  	s4 =	sshll.u32 s26, $0x1;
	_ =	strace $0x80000046;
	[dreg:$0x1] =	wrdreg $0xFFFFFFFF  }
0xa7: {  	s28 =	simm.s32 $_size_execute0_lowered;
	s2 =	sadd.s32 s2, s4;
	[dreg:$0x0] =	wrdreg $0x0  }
0xa8: {  	s4 =	sshll.u32 s28, $0x1;
	[dreg:$0x2] =	wrdreg s2  }
0xa9: {  	[dreg:$0x3] =	wrdreg s4  }
0xaa: {  	[dreg:$0x4] =	wrdreg $0xC0  }
0xab: {  	_ =	task [dreg:s6], $0x5FFFF  }
0xac: {  	[dreg:$0x1] =	wrdreg $0xFFFFFFFF  }
0xad: {  	[dreg:$0x0] =	wrdreg $0x60  }
0xae: {  	[dreg:$0x2] =	wrdreg s24  }
0xaf: {  	[dreg:$0x3] =	wrdreg $0x9  }
0xb0: {  	_ =	task.clear_ibuf [dreg:s6], $0x4FFFF;
	_ =	strace $0x90000046  }
0xb1: {  	s29 =	simm.s32 $0x9;
	_ =	strace $0x80000048  }
0xb2: {  	_ =	swait.ge [sflag:s29], $0x1  }
0xb3: {  	[sflag:s29] =	ssyncadd.s32 $0xFFFFFFFF  }
0xb4: {  	_ =	strace $0x90000048  }
0xb5: {  	_ =	sfence  }
0xb6: {  	s30 =	sld [smem:$0x0];
	_ =	sdelay $0x2  }
0xb7: {  	s31 =	sshll.u32 s1, $0xD;
	s1 =	sshrl.u32 s1, $0x2  }
0xb8: {  	s3 =	sand.u32 $0x4000, s31;
	s1 =	sadd.s32 s1, s30  }
0xb9: {  	s0 =	sor.u32 s3, s0;
	s1 =	sshll.u32 s1, $0x11  }
0xba: {  	s0 =	sor.u32 s1, s0  }
0xbb: {  	s0 =	sadd.s32 $0x8F2B, s0  }
0xbc: {  	[sflag:s0] =	ssyncadd.remote.s32 $0x1  }
0xbd: {  	_ =	sfence.sel $0xFFFF  }
0xbe: {  	[dreg:$0x0] =	wrdreg $0xFFFFFFFF;
	(pc) =	sbr.abs _section_cstart, $3  }
0xbf: {  	[dreg:$0x1] =	wrdreg $0xFFFFFFFF  }
0xc0: {  	_ =	task.clear_ibuf [dreg:s6], $0x2FFFF;
	_ =	strace $0x9FFFFFFF  }
0xc1: {  	(tm) =	ssettm $0x7FFFFFFF  }
tec
execute0_lowered:
.L_overlay_start_1:
0x0: {  	(tag) =	ssettag $0x1  }
0x1: {  	s1 =	srdreg.scid;
	s0 =	stileid.u32  }
0x2: {  	s5 =	rddreg [dreg:$0x0];
	s2 =	simm.s32 $0x0;
	s10 =	simm.s32 $0x2710  }
0x3: {  	s11 =	simm.s32 $0x50;
	s12 =	simm.s32 $0x4E20;
	s13 =	simm.s32 $0x7620  }
0x4: {  	s14 =	simm.s32 $0x1;
	s15 =	simm.s32 $0x2;
	s16 =	simm.s32 $0x9E20  }
0x5: {  	v0 =	vlaneseq.u32;
	s17 =	simm.s32 $0x9F20;
	s18 =	simm.s32 $0x3;
	s19 =	simm.s32 $0x4  }
0x6: {  	s20 =	simm.s32 $0x6220;
	s3 =	sand.u32 $0x1, s1;
	s4 =	sshll.u32 s0, $0x1;
	v0 =	vmul.u32 $0x10, v0  }
0x7: {  	s21 =	simm.s32 $0x8A20;
	s22 =	simm.s32 $0x0;
	s4 =	sor.u32 s3, s4  }
0x8: {  	[smem:$0x7FF] =	sst s2;
	s7 =	ssub.s32 $0x2, s3;
	s6 =	smul.u32 $0x4E2, s4;
	v1 =	vor.u32 $0x1, v0;
	v2 =	vor.u32 $0x2, v0;
	v3 =	vor.u32 $0x3, v0  }
0x9: {  	s1 =	rddreg [dreg:$0x1];
	_ =	strace $0x80000047;
	s8 =	sshrl.u32 s7, $0x1;
	v4 =	vor.u32 $0x4, v0;
	v5 =	vor.u32 $0x5, v0;
	v6 =	vor.u32 $0x6, v0  }
0xa: {  	s3 =	sadd.s32 $0x13C00, s5;
	v7 =	vor.u32 $0x7, v0;
	v8 =	vor.u32 $0x8, v0;
	v9 =	vor.u32 $0x9, v0;
	s8 =	ssub.s32 s7, s8;
	s9 =	sadd.s32 s6, s5  }
0xb: {  	s4 =	sadd.s32 $0x200, s5;
	v10 =	vor.u32 $0xA, v0;
	v11 =	vor.u32 $0xB, v0;
	v12 =	vor.u32 $0xC, v0;
	s8 =	smax.u32 s8, $0x1;
	s5 =	sadd.s32 $0x31400, s9  }
0xc: {  	v13 =	vor.u32 $0xD, v0;
	v14 =	vor.u32 $0xE, v0;
	v15 =	vor.u32 $0xF, v0;
	s6 =	sadd.s32 $0x27600, s9;
	s7 =	sadd.s32 $0x3B200, s9;
	s9 =	simm.s32 $0x5  }
.LBB2_1:
0xd: {  	[tilespmem:s2], [sflag:$0x5] =	stream.linear.gather [hbm4b:s5+s2], $0x2710, $0x38;
	[tilespmem:$0xC630] =	vst v63  }
0xe: {  	_ =	swait.ge [sflag:s9], $0x2710  }
0xf: {  	[sflag:s9] =	ssyncset.done $0x0  }
0x10: {  	[sflag:s9] =	ssyncadd.s32 $0xFFFFD8F0  }
0x11: {  	[tilespmem:s10], [sflag:$0x5] =	stream.linear.gather [hbm4b:s6+s2], $0x2710, $0x38;
	[tilespmem:$0xC630] =	vst v63  }
0x12: {  	_ =	swait.ge [sflag:s9], $0x2710  }
0x13: {  	[sflag:s9] =	ssyncset.done $0x0  }
0x14: {  	[sflag:s9] =	ssyncadd.s32 $0xFFFFD8F0  }
0x15: {  	[tilespmem:s12], [sflag:$0x1] =	stream.indirect.gather [hbm4b:s3+s11], $0x40, s2, s11, $0xb8;
	[tilespmem:$0xC630] =	vst v63  }
0x16: {  	p0 =	por $0x0, $0x0;
	s23 =	simm.s32 $0x9F20;
	s24 =	simm.s32 $0x0  }
0x17: {  	[tilespmem:s13], [sflag:$0x2] =	stream.indirect.gather [hbm4b:s4+s11], $0x40, s10, s11, $0xb8;
	[tilespmem:$0xC630] =	vst v63  }
.LBB2_3:
0x18: {  	p1 =	seq.s32 s24, $0x7C  }
.Ltmp0:
0x19: {  	_ = 	snop;
	(pc) =	sbr.rel @p1 .LBB2_6-.Ltmp0, $2  }
0x1a: {  	_ =	sdelay $0x2  }
0x1b: {  	s25 =	sand.u32 $0x1, s24;
	s24 =	sadd.s32 $0x1, s24  }
0x1c: {  	p1 =	seq.s32 s25, $0x1  }
.Ltmp1:
0x1d: {  	_ = 	snop;
	(pc) =	sbr.rel @!p1 .LBB2_5-.Ltmp1, $3  }
0x1e: {  	_ = 	snop  }
0x1f: {  	s26 =	smul.u32 $0x50, s24;
	_ =	sdelay $0x1  }
0x20: {  	s28 =	sadd.s32 $0x2710, s26  }
.Ltmp2:
0x21: {  	(pc) =	sbr.rel .LBB2_7-.Ltmp2, $4  }
0x22: {  	_ = 	snop  }
0x23: {  	[tilespmem:s12], [sflag:$0x1] =	stream.indirect.gather [hbm4b:s3+s11], $0x40, s26, s11, $0xb8;
	[tilespmem:$0xC630] =	vst v63  }
0x24: {  	_ = 	snop  }
0x25: {  	[tilespmem:s13], [sflag:$0x2] =	stream.indirect.gather [hbm4b:s4+s11], $0x40, s28, s11, $0xb8;
	[tilespmem:$0xC630] =	vst v63  }
.LBB2_5:
0x26: {  	[tilespmem:s20], [sflag:$0x3] =	stream.indirect.gather [hbm4b:s3+s11], $0x40, s26, s11, $0xb8;
	[tilespmem:$0xC630] =	vst v63  }
0x27: {  	_ = 	snop  }
0x28: {  	[tilespmem:s21], [sflag:$0x4] =	stream.indirect.gather [hbm4b:s4+s11], $0x40, s28, s11, $0xb8;
	[tilespmem:$0xC630] =	vst v63  }
.LBB2_6:
0x29: {  	_ =	swait.ge [sflag:s14], $0x1400;
	p1 =	seq.s32 s25, $0x0  }
.Ltmp3:
0x2a: {  	[sflag:s14] =	ssyncset.done $0x0;
	(pc) =	sbr.rel @p1 .LBB2_8-.Ltmp3, $4  }
0x2b: {  	[sflag:s14] =	ssyncadd.s32 $0xFFFFEC00  }
0x2c: {  	_ =	swait.ge [sflag:s15], $0x1400  }
0x2d: {  	[sflag:s15] =	ssyncset.done $0x0  }
0x2e: {  	[sflag:s15] =	ssyncadd.s32 $0xFFFFEC00  }
.LBB2_7:
0x2f: {  	_ =	swait.ge [sflag:s18], $0x1400  }
0x30: {  	[sflag:s18] =	ssyncset.done $0x0  }
0x31: {  	[sflag:s18] =	ssyncadd.s32 $0xFFFFEC00  }
0x32: {  	_ =	swait.ge [sflag:s19], $0x1400  }
0x33: {  	[sflag:s19] =	ssyncset.done $0x0  }
0x34: {  	[sflag:s19] =	ssyncadd.s32 $0xFFFFEC00  }
.LBB2_8:
0x35: {  	s25 =	simm.s32 $0x1  }
0x36: {  	s25 =	simm.s32 @!p0 $0x0  }
0x37: {  	s25 =	smul.u32 $0x5000, s25;
	_ =	sdelay $0x1  }
0x38: {  	s25 =	sshrl.u32 s25, $0x2  }
0x39: {  	s26 =	sadd.s32 $0x4E20, s25  }
0x3a: {  	s28 =	sadd.s32 $0x7620, s25;
	v16 =	vmov s26  }
0x3b: {  	v17 =	vmov s28;
	_ =	sdelay $0x1  }
0x3c: {  	s25 =	simm.s32 $0xFC0;
	s26 =	smov.u32 s23  }
.LBB2_9:
0x3d: {  	s28 =	sshra.s32 s25, $0x2  }
0x3e: {  	v18 =	vld.idx.msk [tilespmem:v16+s28+$0xFFFFFC10 ss:$0x1], $0xffff  }
0x3f: {  	v19 =	vld.idx.msk [tilespmem:v17+s28+$0xFFFFFC10 ss:$0x1], $0xffff  }
0x40: {  	v20 =	vld.idx.msk [tilespmem:v16+s28+$0xFFFFFC20 ss:$0x1], $0xffff  }
0x41: {  	v21 =	vld.idx.msk [tilespmem:v17+s28+$0xFFFFFC20 ss:$0x1], $0xffff  }
0x42: {  	v22 =	vld.idx.msk [tilespmem:v16+s28+$0xFFFFFC30 ss:$0x1], $0xffff  }
0x43: {  	v23 =	vld.idx.msk [tilespmem:v17+s28+$0xFFFFFC30 ss:$0x1], $0xffff  }
0x44: {  	v24 =	vld.idx.msk [tilespmem:v16+s28+$0xFFFFFC40 ss:$0x1], $0xffff  }
0x45: {  	v25 =	vld.idx.msk [tilespmem:v17+s28+$0xFFFFFC40 ss:$0x1], $0xffff;
	_ =	sdelay $0x3  }
0x46: {  	v18 =	vmul.bf16 v19, v18;
	v19 =	vmul.bf16 v21, v20  }
0x47: {  	v36 =	vmul.bf16 v23, v22;
	v37 =	vmul.bf16 v25, v24;
	_ =	sdelay $0x1  }
0x48: {  	v18 =	vadd.bf16 v19, v18;
	v19 =	vadd.bf16 v37, v36;
	_ =	sdelay $0x1  }
0x49: {  	v18 =	vadd.bf16 v19, v18;
	_ =	sdelay $0x1  }
0x4a: {  	v19 =	vunpack.i.u.bf16.f32 v18;
	v18 =	vunpack.i.l.bf16.f32 v18  }
0x4b: {  	v18 =	vadd.f32 v18, v19;
	_ =	sdelay $0x1  }
0x4c: {  	[tilespmem:v0+s16+$0x0] =	vst.idx.msk $0xffff, v18  }
0x4d: {  	v18 =	vld.idx.msk [tilespmem:v16+s28+$0xFFFFFC50 ss:$0x1], $0xffff  }
0x4e: {  	v19 =	vld.idx.msk [tilespmem:v17+s28+$0xFFFFFC50 ss:$0x1], $0xffff  }
0x4f: {  	v38 =	vld.idx.msk [tilespmem:v16+s28+$0xFFFFFC60 ss:$0x1], $0xffff  }
0x50: {  	v39 =	vld.idx.msk [tilespmem:v17+s28+$0xFFFFFC60 ss:$0x1], $0xffff  }
0x51: {  	v40 =	vld.idx.msk [tilespmem:v16+s28+$0xFFFFFC70 ss:$0x1], $0xffff  }
0x52: {  	v41 =	vld.idx.msk [tilespmem:v17+s28+$0xFFFFFC70 ss:$0x1], $0xffff  }
0x53: {  	v42 =	vld.idx.msk [tilespmem:v16+s28+$0xFFFFFC80 ss:$0x1], $0xffff  }
0x54: {  	v43 =	vld.idx.msk [tilespmem:v17+s28+$0xFFFFFC80 ss:$0x1], $0xffff;
	_ =	sdelay $0x3  }
0x55: {  	v18 =	vmul.bf16 v19, v18;
	v19 =	vmul.bf16 v39, v38  }
0x56: {  	v44 =	vmul.bf16 v41, v40;
	v45 =	vmul.bf16 v43, v42;
	_ =	sdelay $0x1  }
0x57: {  	v18 =	vadd.bf16 v19, v18;
	v19 =	vadd.bf16 v45, v44;
	_ =	sdelay $0x1  }
0x58: {  	v18 =	vadd.bf16 v19, v18;
	_ =	sdelay $0x1  }
0x59: {  	v19 =	vunpack.i.u.bf16.f32 v18;
	v18 =	vunpack.i.l.bf16.f32 v18  }
0x5a: {  	v18 =	vadd.f32 v18, v19;
	_ =	sdelay $0x1  }
0x5b: {  	[tilespmem:v1+s16+$0x0] =	vst.idx.msk $0xffff, v18  }
0x5c: {  	v18 =	vld.idx.msk [tilespmem:v16+s28+$0xFFFFFC90 ss:$0x1], $0xffff  }
0x5d: {  	v19 =	vld.idx.msk [tilespmem:v17+s28+$0xFFFFFC90 ss:$0x1], $0xffff  }
0x5e: {  	v46 =	vld.idx.msk [tilespmem:v16+s28+$0xFFFFFCA0 ss:$0x1], $0xffff  }
0x5f: {  	v47 =	vld.idx.msk [tilespmem:v17+s28+$0xFFFFFCA0 ss:$0x1], $0xffff  }
0x60: {  	v48 =	vld.idx.msk [tilespmem:v16+s28+$0xFFFFFCB0 ss:$0x1], $0xffff  }
0x61: {  	v49 =	vld.idx.msk [tilespmem:v17+s28+$0xFFFFFCB0 ss:$0x1], $0xffff  }
0x62: {  	v50 =	vld.idx.msk [tilespmem:v16+s28+$0xFFFFFCC0 ss:$0x1], $0xffff  }
0x63: {  	v51 =	vld.idx.msk [tilespmem:v17+s28+$0xFFFFFCC0 ss:$0x1], $0xffff;
	_ =	sdelay $0x3  }
0x64: {  	v18 =	vmul.bf16 v19, v18;
	v19 =	vmul.bf16 v47, v46  }
0x65: {  	v52 =	vmul.bf16 v49, v48;
	v53 =	vmul.bf16 v51, v50;
	_ =	sdelay $0x1  }
0x66: {  	v18 =	vadd.bf16 v19, v18;
	v19 =	vadd.bf16 v53, v52;
	_ =	sdelay $0x1  }
0x67: {  	v18 =	vadd.bf16 v19, v18;
	_ =	sdelay $0x1  }
0x68: {  	v19 =	vunpack.i.u.bf16.f32 v18;
	v18 =	vunpack.i.l.bf16.f32 v18  }
0x69: {  	v18 =	vadd.f32 v18, v19;
	_ =	sdelay $0x1  }
0x6a: {  	[tilespmem:v2+s16+$0x0] =	vst.idx.msk $0xffff, v18  }
0x6b: {  	v18 =	vld.idx.msk [tilespmem:v16+s28+$0xFFFFFCD0 ss:$0x1], $0xffff  }
0x6c: {  	v19 =	vld.idx.msk [tilespmem:v17+s28+$0xFFFFFCD0 ss:$0x1], $0xffff  }
0x6d: {  	v54 =	vld.idx.msk [tilespmem:v16+s28+$0xFFFFFCE0 ss:$0x1], $0xffff  }
0x6e: {  	v55 =	vld.idx.msk [tilespmem:v17+s28+$0xFFFFFCE0 ss:$0x1], $0xffff  }
0x6f: {  	v56 =	vld.idx.msk [tilespmem:v16+s28+$0xFFFFFCF0 ss:$0x1], $0xffff  }
0x70: {  	v57 =	vld.idx.msk [tilespmem:v17+s28+$0xFFFFFCF0 ss:$0x1], $0xffff  }
0x71: {  	v58 =	vld.idx.msk [tilespmem:v16+s28+$0xFFFFFD00 ss:$0x1], $0xffff  }
0x72: {  	v59 =	vld.idx.msk [tilespmem:v17+s28+$0xFFFFFD00 ss:$0x1], $0xffff;
	_ =	sdelay $0x3  }
0x73: {  	v18 =	vmul.bf16 v19, v18;
	v19 =	vmul.bf16 v55, v54  }
0x74: {  	v60 =	vmul.bf16 v57, v56;
	v61 =	vmul.bf16 v59, v58;
	_ =	sdelay $0x1  }
0x75: {  	v18 =	vadd.bf16 v19, v18;
	v19 =	vadd.bf16 v61, v60;
	_ =	sdelay $0x1  }
0x76: {  	v18 =	vadd.bf16 v19, v18;
	_ =	sdelay $0x1  }
0x77: {  	v19 =	vunpack.i.u.bf16.f32 v18;
	v18 =	vunpack.i.l.bf16.f32 v18  }
0x78: {  	v18 =	vadd.f32 v18, v19;
	_ =	sdelay $0x1  }
0x79: {  	[tilespmem:v3+s16+$0x0] =	vst.idx.msk $0xffff, v18  }
0x7a: {  	v18 =	vld.idx.msk [tilespmem:v16+s28+$0xFFFFFD10 ss:$0x1], $0xffff  }
0x7b: {  	v19 =	vld.idx.msk [tilespmem:v17+s28+$0xFFFFFD10 ss:$0x1], $0xffff  }
0x7c: {  	v62 =	vld.idx.msk [tilespmem:v16+s28+$0xFFFFFD20 ss:$0x1], $0xffff  }
0x7d: {  	v63 =	vld.idx.msk [tilespmem:v17+s28+$0xFFFFFD20 ss:$0x1], $0xffff  }
0x7e: {  	v28 =	vld.idx.msk [tilespmem:v16+s28+$0xFFFFFD30 ss:$0x1], $0xffff  }
0x7f: {  	v29 =	vld.idx.msk [tilespmem:v17+s28+$0xFFFFFD30 ss:$0x1], $0xffff  }
0x80: {  	v30 =	vld.idx.msk [tilespmem:v16+s28+$0xFFFFFD40 ss:$0x1], $0xffff  }
0x81: {  	v31 =	vld.idx.msk [tilespmem:v17+s28+$0xFFFFFD40 ss:$0x1], $0xffff;
	_ =	sdelay $0x3  }
0x82: {  	v18 =	vmul.bf16 v19, v18;
	v19 =	vmul.bf16 v63, v62  }
0x83: {  	v32 =	vmul.bf16 v29, v28;
	v33 =	vmul.bf16 v31, v30;
	_ =	sdelay $0x1  }
0x84: {  	v18 =	vadd.bf16 v19, v18;
	v19 =	vadd.bf16 v33, v32;
	_ =	sdelay $0x1  }
0x85: {  	v18 =	vadd.bf16 v19, v18;
	_ =	sdelay $0x1  }
0x86: {  	v19 =	vunpack.i.u.bf16.f32 v18;
	v18 =	vunpack.i.l.bf16.f32 v18  }
0x87: {  	v18 =	vadd.f32 v18, v19;
	_ =	sdelay $0x1  }
0x88: {  	[tilespmem:v4+s16+$0x0] =	vst.idx.msk $0xffff, v18  }
0x89: {  	v18 =	vld.idx.msk [tilespmem:v16+s28+$0xFFFFFD50 ss:$0x1], $0xffff  }
0x8a: {  	v19 =	vld.idx.msk [tilespmem:v17+s28+$0xFFFFFD50 ss:$0x1], $0xffff  }
0x8b: {  	v34 =	vld.idx.msk [tilespmem:v16+s28+$0xFFFFFD60 ss:$0x1], $0xffff  }
0x8c: {  	v35 =	vld.idx.msk [tilespmem:v17+s28+$0xFFFFFD60 ss:$0x1], $0xffff  }
0x8d: {  	v36 =	vld.idx.msk [tilespmem:v16+s28+$0xFFFFFD70 ss:$0x1], $0xffff  }
0x8e: {  	v37 =	vld.idx.msk [tilespmem:v17+s28+$0xFFFFFD70 ss:$0x1], $0xffff  }
0x8f: {  	v38 =	vld.idx.msk [tilespmem:v16+s28+$0xFFFFFD80 ss:$0x1], $0xffff  }
0x90: {  	v39 =	vld.idx.msk [tilespmem:v17+s28+$0xFFFFFD80 ss:$0x1], $0xffff;
	_ =	sdelay $0x3  }
0x91: {  	v18 =	vmul.bf16 v19, v18;
	v19 =	vmul.bf16 v35, v34  }
0x92: {  	v40 =	vmul.bf16 v37, v36;
	v41 =	vmul.bf16 v39, v38;
	_ =	sdelay $0x1  }
0x93: {  	v18 =	vadd.bf16 v19, v18;
	v19 =	vadd.bf16 v41, v40;
	_ =	sdelay $0x1  }
0x94: {  	v18 =	vadd.bf16 v19, v18;
	_ =	sdelay $0x1  }
0x95: {  	v19 =	vunpack.i.u.bf16.f32 v18;
	v18 =	vunpack.i.l.bf16.f32 v18  }
0x96: {  	v18 =	vadd.f32 v18, v19;
	_ =	sdelay $0x1  }
0x97: {  	[tilespmem:v5+s16+$0x0] =	vst.idx.msk $0xffff, v18  }
0x98: {  	v18 =	vld.idx.msk [tilespmem:v16+s28+$0xFFFFFD90 ss:$0x1], $0xffff  }
0x99: {  	v19 =	vld.idx.msk [tilespmem:v17+s28+$0xFFFFFD90 ss:$0x1], $0xffff  }
0x9a: {  	v42 =	vld.idx.msk [tilespmem:v16+s28+$0xFFFFFDA0 ss:$0x1], $0xffff  }
0x9b: {  	v43 =	vld.idx.msk [tilespmem:v17+s28+$0xFFFFFDA0 ss:$0x1], $0xffff  }
0x9c: {  	v44 =	vld.idx.msk [tilespmem:v16+s28+$0xFFFFFDB0 ss:$0x1], $0xffff  }
0x9d: {  	v45 =	vld.idx.msk [tilespmem:v17+s28+$0xFFFFFDB0 ss:$0x1], $0xffff  }
0x9e: {  	v46 =	vld.idx.msk [tilespmem:v16+s28+$0xFFFFFDC0 ss:$0x1], $0xffff  }
0x9f: {  	v47 =	vld.idx.msk [tilespmem:v17+s28+$0xFFFFFDC0 ss:$0x1], $0xffff;
	_ =	sdelay $0x3  }
0xa0: {  	v18 =	vmul.bf16 v19, v18;
	v19 =	vmul.bf16 v43, v42  }
0xa1: {  	v48 =	vmul.bf16 v45, v44;
	v49 =	vmul.bf16 v47, v46;
	_ =	sdelay $0x1  }
0xa2: {  	v18 =	vadd.bf16 v19, v18;
	v19 =	vadd.bf16 v49, v48;
	_ =	sdelay $0x1  }
0xa3: {  	v18 =	vadd.bf16 v19, v18;
	_ =	sdelay $0x1  }
0xa4: {  	v19 =	vunpack.i.u.bf16.f32 v18;
	v18 =	vunpack.i.l.bf16.f32 v18  }
0xa5: {  	v18 =	vadd.f32 v18, v19;
	_ =	sdelay $0x1  }
0xa6: {  	[tilespmem:v6+s16+$0x0] =	vst.idx.msk $0xffff, v18  }
0xa7: {  	v18 =	vld.idx.msk [tilespmem:v16+s28+$0xFFFFFDD0 ss:$0x1], $0xffff  }
0xa8: {  	v19 =	vld.idx.msk [tilespmem:v17+s28+$0xFFFFFDD0 ss:$0x1], $0xffff  }
0xa9: {  	v50 =	vld.idx.msk [tilespmem:v16+s28+$0xFFFFFDE0 ss:$0x1], $0xffff  }
0xaa: {  	v51 =	vld.idx.msk [tilespmem:v17+s28+$0xFFFFFDE0 ss:$0x1], $0xffff  }
0xab: {  	v52 =	vld.idx.msk [tilespmem:v16+s28+$0xFFFFFDF0 ss:$0x1], $0xffff  }
0xac: {  	v53 =	vld.idx.msk [tilespmem:v17+s28+$0xFFFFFDF0 ss:$0x1], $0xffff  }
0xad: {  	v54 =	vld.idx.msk [tilespmem:v16+s28+$0xFFFFFE00 ss:$0x1], $0xffff  }
0xae: {  	v55 =	vld.idx.msk [tilespmem:v17+s28+$0xFFFFFE00 ss:$0x1], $0xffff;
	_ =	sdelay $0x3  }
0xaf: {  	v18 =	vmul.bf16 v19, v18;
	v19 =	vmul.bf16 v51, v50  }
0xb0: {  	v56 =	vmul.bf16 v53, v52;
	v57 =	vmul.bf16 v55, v54;
	_ =	sdelay $0x1  }
0xb1: {  	v18 =	vadd.bf16 v19, v18;
	v19 =	vadd.bf16 v57, v56;
	_ =	sdelay $0x1  }
0xb2: {  	v18 =	vadd.bf16 v19, v18;
	_ =	sdelay $0x1  }
0xb3: {  	v19 =	vunpack.i.u.bf16.f32 v18;
	v18 =	vunpack.i.l.bf16.f32 v18  }
0xb4: {  	v18 =	vadd.f32 v18, v19;
	_ =	sdelay $0x1  }
0xb5: {  	[tilespmem:v7+s16+$0x0] =	vst.idx.msk $0xffff, v18  }
0xb6: {  	v18 =	vld.idx.msk [tilespmem:v16+s28+$0xFFFFFE10 ss:$0x1], $0xffff  }
0xb7: {  	v19 =	vld.idx.msk [tilespmem:v17+s28+$0xFFFFFE10 ss:$0x1], $0xffff  }
0xb8: {  	v58 =	vld.idx.msk [tilespmem:v16+s28+$0xFFFFFE20 ss:$0x1], $0xffff  }
0xb9: {  	v59 =	vld.idx.msk [tilespmem:v17+s28+$0xFFFFFE20 ss:$0x1], $0xffff  }
0xba: {  	v60 =	vld.idx.msk [tilespmem:v16+s28+$0xFFFFFE30 ss:$0x1], $0xffff  }
0xbb: {  	v61 =	vld.idx.msk [tilespmem:v17+s28+$0xFFFFFE30 ss:$0x1], $0xffff  }
0xbc: {  	v62 =	vld.idx.msk [tilespmem:v16+s28+$0xFFFFFE40 ss:$0x1], $0xffff  }
0xbd: {  	v63 =	vld.idx.msk [tilespmem:v17+s28+$0xFFFFFE40 ss:$0x1], $0xffff;
	_ =	sdelay $0x3  }
0xbe: {  	v18 =	vmul.bf16 v19, v18;
	v19 =	vmul.bf16 v59, v58  }
0xbf: {  	v28 =	vmul.bf16 v61, v60;
	v29 =	vmul.bf16 v63, v62;
	_ =	sdelay $0x1  }
0xc0: {  	v18 =	vadd.bf16 v19, v18;
	v19 =	vadd.bf16 v29, v28;
	_ =	sdelay $0x1  }
0xc1: {  	v18 =	vadd.bf16 v19, v18;
	_ =	sdelay $0x1  }
0xc2: {  	v19 =	vunpack.i.u.bf16.f32 v18;
	v18 =	vunpack.i.l.bf16.f32 v18  }
0xc3: {  	v18 =	vadd.f32 v18, v19;
	_ =	sdelay $0x1  }
0xc4: {  	[tilespmem:v8+s16+$0x0] =	vst.idx.msk $0xffff, v18  }
0xc5: {  	v18 =	vld.idx.msk [tilespmem:v16+s28+$0xFFFFFE50 ss:$0x1], $0xffff  }
0xc6: {  	v19 =	vld.idx.msk [tilespmem:v17+s28+$0xFFFFFE50 ss:$0x1], $0xffff  }
0xc7: {  	v30 =	vld.idx.msk [tilespmem:v16+s28+$0xFFFFFE60 ss:$0x1], $0xffff  }
0xc8: {  	v31 =	vld.idx.msk [tilespmem:v17+s28+$0xFFFFFE60 ss:$0x1], $0xffff  }
0xc9: {  	v32 =	vld.idx.msk [tilespmem:v16+s28+$0xFFFFFE70 ss:$0x1], $0xffff  }
0xca: {  	v33 =	vld.idx.msk [tilespmem:v17+s28+$0xFFFFFE70 ss:$0x1], $0xffff  }
0xcb: {  	v34 =	vld.idx.msk [tilespmem:v16+s28+$0xFFFFFE80 ss:$0x1], $0xffff  }
0xcc: {  	v35 =	vld.idx.msk [tilespmem:v17+s28+$0xFFFFFE80 ss:$0x1], $0xffff;
	_ =	sdelay $0x3  }
0xcd: {  	v18 =	vmul.bf16 v19, v18;
	v19 =	vmul.bf16 v31, v30  }
0xce: {  	v36 =	vmul.bf16 v33, v32;
	v37 =	vmul.bf16 v35, v34;
	_ =	sdelay $0x1  }
0xcf: {  	v18 =	vadd.bf16 v19, v18;
	v19 =	vadd.bf16 v37, v36;
	_ =	sdelay $0x1  }
0xd0: {  	v18 =	vadd.bf16 v19, v18;
	_ =	sdelay $0x1  }
0xd1: {  	v19 =	vunpack.i.u.bf16.f32 v18;
	v18 =	vunpack.i.l.bf16.f32 v18  }
0xd2: {  	v18 =	vadd.f32 v18, v19;
	_ =	sdelay $0x1  }
0xd3: {  	[tilespmem:v9+s16+$0x0] =	vst.idx.msk $0xffff, v18  }
0xd4: {  	v18 =	vld.idx.msk [tilespmem:v16+s28+$0xFFFFFE90 ss:$0x1], $0xffff  }
0xd5: {  	v19 =	vld.idx.msk [tilespmem:v17+s28+$0xFFFFFE90 ss:$0x1], $0xffff  }
0xd6: {  	v38 =	vld.idx.msk [tilespmem:v16+s28+$0xFFFFFEA0 ss:$0x1], $0xffff  }
0xd7: {  	v39 =	vld.idx.msk [tilespmem:v17+s28+$0xFFFFFEA0 ss:$0x1], $0xffff  }
0xd8: {  	v40 =	vld.idx.msk [tilespmem:v16+s28+$0xFFFFFEB0 ss:$0x1], $0xffff  }
0xd9: {  	v41 =	vld.idx.msk [tilespmem:v17+s28+$0xFFFFFEB0 ss:$0x1], $0xffff  }
0xda: {  	v42 =	vld.idx.msk [tilespmem:v16+s28+$0xFFFFFEC0 ss:$0x1], $0xffff  }
0xdb: {  	v43 =	vld.idx.msk [tilespmem:v17+s28+$0xFFFFFEC0 ss:$0x1], $0xffff;
	_ =	sdelay $0x3  }
0xdc: {  	v18 =	vmul.bf16 v19, v18;
	v19 =	vmul.bf16 v39, v38  }
0xdd: {  	v44 =	vmul.bf16 v41, v40;
	v45 =	vmul.bf16 v43, v42;
	_ =	sdelay $0x1  }
0xde: {  	v18 =	vadd.bf16 v19, v18;
	v19 =	vadd.bf16 v45, v44;
	_ =	sdelay $0x1  }
0xdf: {  	v18 =	vadd.bf16 v19, v18;
	_ =	sdelay $0x1  }
0xe0: {  	v19 =	vunpack.i.u.bf16.f32 v18;
	v18 =	vunpack.i.l.bf16.f32 v18  }
0xe1: {  	v18 =	vadd.f32 v18, v19;
	_ =	sdelay $0x1  }
0xe2: {  	[tilespmem:v10+s16+$0x0] =	vst.idx.msk $0xffff, v18  }
0xe3: {  	v18 =	vld.idx.msk [tilespmem:v16+s28+$0xFFFFFED0 ss:$0x1], $0xffff  }
0xe4: {  	v19 =	vld.idx.msk [tilespmem:v17+s28+$0xFFFFFED0 ss:$0x1], $0xffff  }
0xe5: {  	v46 =	vld.idx.msk [tilespmem:v16+s28+$0xFFFFFEE0 ss:$0x1], $0xffff  }
0xe6: {  	v47 =	vld.idx.msk [tilespmem:v17+s28+$0xFFFFFEE0 ss:$0x1], $0xffff  }
0xe7: {  	v48 =	vld.idx.msk [tilespmem:v16+s28+$0xFFFFFEF0 ss:$0x1], $0xffff  }
0xe8: {  	v49 =	vld.idx.msk [tilespmem:v17+s28+$0xFFFFFEF0 ss:$0x1], $0xffff  }
0xe9: {  	v50 =	vld.idx.msk [tilespmem:v16+s28+$0xFFFFFF00 ss:$0x1], $0xffff  }
0xea: {  	v51 =	vld.idx.msk [tilespmem:v17+s28+$0xFFFFFF00 ss:$0x1], $0xffff;
	_ =	sdelay $0x3  }
0xeb: {  	v18 =	vmul.bf16 v19, v18;
	v19 =	vmul.bf16 v47, v46  }
0xec: {  	v52 =	vmul.bf16 v49, v48;
	v53 =	vmul.bf16 v51, v50;
	_ =	sdelay $0x1  }
0xed: {  	v18 =	vadd.bf16 v19, v18;
	v19 =	vadd.bf16 v53, v52;
	_ =	sdelay $0x1  }
0xee: {  	v18 =	vadd.bf16 v19, v18;
	_ =	sdelay $0x1  }
0xef: {  	v19 =	vunpack.i.u.bf16.f32 v18;
	v18 =	vunpack.i.l.bf16.f32 v18  }
0xf0: {  	v18 =	vadd.f32 v18, v19;
	_ =	sdelay $0x1  }
0xf1: {  	[tilespmem:v11+s16+$0x0] =	vst.idx.msk $0xffff, v18  }
0xf2: {  	v18 =	vld.idx.msk [tilespmem:v16+s28+$0xFFFFFF10 ss:$0x1], $0xffff  }
0xf3: {  	v19 =	vld.idx.msk [tilespmem:v17+s28+$0xFFFFFF10 ss:$0x1], $0xffff  }
0xf4: {  	v54 =	vld.idx.msk [tilespmem:v16+s28+$0xFFFFFF20 ss:$0x1], $0xffff  }
0xf5: {  	v55 =	vld.idx.msk [tilespmem:v17+s28+$0xFFFFFF20 ss:$0x1], $0xffff  }
0xf6: {  	v56 =	vld.idx.msk [tilespmem:v16+s28+$0xFFFFFF30 ss:$0x1], $0xffff  }
0xf7: {  	v57 =	vld.idx.msk [tilespmem:v17+s28+$0xFFFFFF30 ss:$0x1], $0xffff  }
0xf8: {  	v58 =	vld.idx.msk [tilespmem:v16+s28+$0xFFFFFF40 ss:$0x1], $0xffff  }
0xf9: {  	v59 =	vld.idx.msk [tilespmem:v17+s28+$0xFFFFFF40 ss:$0x1], $0xffff;
	_ =	sdelay $0x3  }
0xfa: {  	v18 =	vmul.bf16 v19, v18;
	v19 =	vmul.bf16 v55, v54  }
0xfb: {  	v60 =	vmul.bf16 v57, v56;
	v61 =	vmul.bf16 v59, v58;
	_ =	sdelay $0x1  }
0xfc: {  	v18 =	vadd.bf16 v19, v18;
	v19 =	vadd.bf16 v61, v60;
	_ =	sdelay $0x1  }
0xfd: {  	v18 =	vadd.bf16 v19, v18;
	_ =	sdelay $0x1  }
0xfe: {  	v19 =	vunpack.i.u.bf16.f32 v18;
	v18 =	vunpack.i.l.bf16.f32 v18  }
0xff: {  	v18 =	vadd.f32 v18, v19;
	_ =	sdelay $0x1  }
0x100: {  	[tilespmem:v12+s16+$0x0] =	vst.idx.msk $0xffff, v18  }
0x101: {  	v18 =	vld.idx.msk [tilespmem:v16+s28+$0xFFFFFF50 ss:$0x1], $0xffff  }
0x102: {  	v19 =	vld.idx.msk [tilespmem:v17+s28+$0xFFFFFF50 ss:$0x1], $0xffff  }
0x103: {  	v62 =	vld.idx.msk [tilespmem:v16+s28+$0xFFFFFF60 ss:$0x1], $0xffff  }
0x104: {  	v63 =	vld.idx.msk [tilespmem:v17+s28+$0xFFFFFF60 ss:$0x1], $0xffff  }
0x105: {  	v28 =	vld.idx.msk [tilespmem:v16+s28+$0xFFFFFF70 ss:$0x1], $0xffff  }
0x106: {  	v29 =	vld.idx.msk [tilespmem:v17+s28+$0xFFFFFF70 ss:$0x1], $0xffff  }
0x107: {  	v30 =	vld.idx.msk [tilespmem:v16+s28+$0xFFFFFF80 ss:$0x1], $0xffff  }
0x108: {  	v31 =	vld.idx.msk [tilespmem:v17+s28+$0xFFFFFF80 ss:$0x1], $0xffff;
	_ =	sdelay $0x3  }
0x109: {  	v18 =	vmul.bf16 v19, v18;
	v19 =	vmul.bf16 v63, v62  }
0x10a: {  	v32 =	vmul.bf16 v29, v28;
	v33 =	vmul.bf16 v31, v30;
	_ =	sdelay $0x1  }
0x10b: {  	v18 =	vadd.bf16 v19, v18;
	v19 =	vadd.bf16 v33, v32;
	_ =	sdelay $0x1  }
0x10c: {  	v18 =	vadd.bf16 v19, v18;
	_ =	sdelay $0x1  }
0x10d: {  	v19 =	vunpack.i.u.bf16.f32 v18;
	v18 =	vunpack.i.l.bf16.f32 v18  }
0x10e: {  	v18 =	vadd.f32 v18, v19;
	_ =	sdelay $0x1  }
0x10f: {  	[tilespmem:v13+s16+$0x0] =	vst.idx.msk $0xffff, v18  }
0x110: {  	v18 =	vld.idx.msk [tilespmem:v16+s28+$0xFFFFFF90 ss:$0x1], $0xffff  }
0x111: {  	v19 =	vld.idx.msk [tilespmem:v17+s28+$0xFFFFFF90 ss:$0x1], $0xffff  }
0x112: {  	v34 =	vld.idx.msk [tilespmem:v16+s28+$0xFFFFFFA0 ss:$0x1], $0xffff  }
0x113: {  	v35 =	vld.idx.msk [tilespmem:v17+s28+$0xFFFFFFA0 ss:$0x1], $0xffff  }
0x114: {  	v36 =	vld.idx.msk [tilespmem:v16+s28+$0xFFFFFFB0 ss:$0x1], $0xffff  }
0x115: {  	v37 =	vld.idx.msk [tilespmem:v17+s28+$0xFFFFFFB0 ss:$0x1], $0xffff  }
0x116: {  	v38 =	vld.idx.msk [tilespmem:v16+s28+$0xFFFFFFC0 ss:$0x1], $0xffff  }
0x117: {  	v39 =	vld.idx.msk [tilespmem:v17+s28+$0xFFFFFFC0 ss:$0x1], $0xffff;
	_ =	sdelay $0x3  }
0x118: {  	v18 =	vmul.bf16 v19, v18;
	v19 =	vmul.bf16 v35, v34  }
0x119: {  	v40 =	vmul.bf16 v37, v36;
	v41 =	vmul.bf16 v39, v38;
	_ =	sdelay $0x1  }
0x11a: {  	v18 =	vadd.bf16 v19, v18;
	v19 =	vadd.bf16 v41, v40;
	_ =	sdelay $0x1  }
0x11b: {  	v18 =	vadd.bf16 v19, v18;
	_ =	sdelay $0x1  }
0x11c: {  	v19 =	vunpack.i.u.bf16.f32 v18;
	v18 =	vunpack.i.l.bf16.f32 v18  }
0x11d: {  	v18 =	vadd.f32 v18, v19;
	_ =	sdelay $0x1  }
0x11e: {  	[tilespmem:v14+s16+$0x0] =	vst.idx.msk $0xffff, v18  }
0x11f: {  	v18 =	vld.idx.msk [tilespmem:v16+s28+$0xFFFFFFD0 ss:$0x1], $0xffff  }
0x120: {  	v19 =	vld.idx.msk [tilespmem:v17+s28+$0xFFFFFFD0 ss:$0x1], $0xffff  }
0x121: {  	v42 =	vld.idx.msk [tilespmem:v16+s28+$0xFFFFFFE0 ss:$0x1], $0xffff  }
0x122: {  	v43 =	vld.idx.msk [tilespmem:v17+s28+$0xFFFFFFE0 ss:$0x1], $0xffff  }
0x123: {  	v44 =	vld.idx.msk [tilespmem:v16+s28+$0xFFFFFFF0 ss:$0x1], $0xffff  }
0x124: {  	v45 =	vld.idx.msk [tilespmem:v17+s28+$0xFFFFFFF0 ss:$0x1], $0xffff  }
0x125: {  	v46 =	vld.idx.msk [tilespmem:v16+s28+$0x0 ss:$0x1], $0xffff  }
0x126: {  	v47 =	vld.idx.msk [tilespmem:v17+s28+$0x0 ss:$0x1], $0xffff;
	_ =	sdelay $0x3  }
0x127: {  	v18 =	vmul.bf16 v19, v18;
	v19 =	vmul.bf16 v43, v42  }
0x128: {  	v48 =	vmul.bf16 v45, v44;
	v49 =	vmul.bf16 v47, v46;
	_ =	sdelay $0x1  }
0x129: {  	v18 =	vadd.bf16 v19, v18;
	v19 =	vadd.bf16 v49, v48;
	_ =	sdelay $0x1  }
0x12a: {  	v18 =	vadd.bf16 v19, v18;
	_ =	sdelay $0x1  }
0x12b: {  	v19 =	vunpack.i.u.bf16.f32 v18;
	v18 =	vunpack.i.l.bf16.f32 v18  }
0x12c: {  	v18 =	vadd.f32 v18, v19;
	_ =	sdelay $0x1  }
0x12d: {  	[tilespmem:v15+s16+$0x0] =	vst.idx.msk $0xffff, v18  }
0x12e: {  	v18 =	vld [tilespmem:$0x9E20]  }
0x12f: {  	v19 =	vld [tilespmem:$0x9E30]  }
0x130: {  	v50 =	vld [tilespmem:$0x9E40]  }
0x131: {  	v51 =	vld [tilespmem:$0x9E50]  }
0x132: {  	v52 =	vld [tilespmem:$0x9E60]  }
0x133: {  	v53 =	vld [tilespmem:$0x9E70]  }
0x134: {  	v54 =	vld [tilespmem:$0x9E80]  }
0x135: {  	v55 =	vld [tilespmem:$0x9E90]  }
0x136: {  	v26 =	vld [tilespmem:$0x9EA0]  }
0x137: {  	v27 =	vld [tilespmem:$0x9EB0]  }
0x138: {  	v28 =	vld [tilespmem:$0x9EC0]  }
0x139: {  	v29 =	vld [tilespmem:$0x9ED0]  }
0x13a: {  	v30 =	vld [tilespmem:$0x9EE0]  }
0x13b: {  	v31 =	vld [tilespmem:$0x9EF0]  }
0x13c: {  	v32 =	vld [tilespmem:$0x9F00]  }
0x13d: {  	v33 =	vld [tilespmem:$0x9F10];
	_ =	sdelay $0x1  }
0x13e: {  	v18 =	vadd.f32 v19, v18;
	v19 =	vadd.f32 v51, v50  }
0x13f: {  	v56 =	vadd.f32 v53, v52;
	v57 =	vadd.f32 v55, v54  }
0x140: {  	v58 =	vadd.f32 v27, v26;
	v59 =	vadd.f32 v29, v28  }
0x141: {  	v60 =	vadd.f32 v31, v30;
	v61 =	vadd.f32 v33, v32  }
0x142: {  	v18 =	vadd.f32 v19, v18;
	v19 =	vadd.f32 v57, v56  }
0x143: {  	v62 =	vadd.f32 v59, v58;
	v63 =	vadd.f32 v61, v60  }
0x144: {  	p1 =	seq.s32 s25, $0x4FC0  }
.Ltmp4:
0x145: {  	v18 =	vadd.f32 v19, v18;
	v19 =	vadd.f32 v63, v62;
	(pc) =	sbr.rel @!p1 .LBB2_9-.Ltmp4, $3  }
0x146: {  	_ = 	snop  }
0x147: {  	v18 =	vadd.f32 v19, v18;
	_ =	sdelay $0x1  }
0x148: {  	s25 =	sadd.s32 $0x1000, s25;
	[tilespmem:s26+$0x0] =	vst v18;
	s26 =	sadd.s32 $0x10, s26  }
0x149: {  	p1 =	seq.s32 s24, $0x7D  }
.Ltmp5:
0x14a: {  	_ = 	snop;
	(pc) =	sbr.rel @!p1 .LBB2_3-.Ltmp5, $2  }
0x14b: {  	_ =	sdelay $0x2  }
0x14c: {  	s23 =	sadd.s32 $0x50, s23;
	p0 =	por !p0, !p0  }
0x14d: {  	s22 =	sadd.s32 $0x1, s22  }
0x14e: {  	p0 =	sne.s32 s22, s8  }
.Ltmp6:
0x14f: {  	_ = 	snop;
	(pc) =	sbr.rel @p0 .LBB2_1-.Ltmp6, $4  }
0x150: {  	[hbm4b:s7+s2] =	stream.linear.scatter [tilespmem:s17], [sflag:$0x5], $0x2710, $0x38;
	[tilespmem:$0xC630] =	vst v63  }
0x151: {  	_ =	swait.ge [sflag:s9], $0x2710  }
0x152: {  	[sflag:s9] =	ssyncset.done $0x0  }
0x153: {  	[sflag:s9] =	ssyncadd.s32 $0xFFFFD8F0  }
0x154: {  	_ =	sfence.sel $0x180000  }
0x155: {  	[bflag:$0x0] =	sbarrier.arrive $0xFFFF  }
0x156: {  	p0 =	sne.s32 s0, $0x0;
	_ =	strace $0x90000047  }
0x157: {  	s0 =	sadd.s32 @!p0 $0x100000, s1;
	[bflag:$0x2] =	sbarrier.arrive $0xFFFF  }
0x158: {  	[sflag:s0] =	ssyncadd.tile.s32 @!p0 $0x1;
	_ =	shalt  }
.Lfunc_end2:
_tile_overlayer_lowered:
.L_overlay_start_2:
0x159: {  	(tag) =	ssettag $0x2  }
0x15a: {  	s0 =	rddreg [dreg:$0x0];
	s2 =	stileid.u32  }
0x15b: {  	s1 =	rddreg [dreg:$0x1];
	p0 =	sne.s32 s2, $0x0  }
0x15c: {  	s3 =	rddreg [dreg:$0x2];
	[bflag:$0x3] =	sbarrier.arrive $0xFFFF;
	s2 =	simm.s32 @!p0 $0x1C05  }
0x15d: {  	[timem:s3], [sflag:s2] =	dma.local @!p0 [hbm:s0], s1  }
0x15e: {  	s0 =	simm.s32 @!p0 $0x5  }
0x15f: {  	_ =	swait.ge @!p0 [sflag:s0], s1  }
0x160: {  	s1 =	ssub.s32 @!p0 $0x0, s1;
	[sflag:s0] =	ssyncset.done @!p0 $0x0  }
0x161: {  	[sflag:s0] =	ssyncadd.s32 @!p0 s1  }
0x162: {  	[bflag:$0x3] =	sbarrier.arrive $0xFFFF  }
0x163: {  	_ =	shalt  }

</sc_bundles>
